<compile_context>
chip_gen: v7x
topology: tpu7x:2x2x1
jax: 0.10.2.dev20260603
libtpu: 0.0.44.dev20260713+nightly
codegen_flags: <defaults>
</compile_context>

<pallas_src>
import functools

import jax
import jax.numpy as jnp
from jax import lax
from jax.experimental import pallas as pl
from jax.experimental.pallas import tpu as pltpu
from jax.experimental.pallas import tpu_sc as plsc

E = 8
D_IN = 1024
D_OUT = 1024
T = 2048
TILE = 128
G_TILE = 512
N_G = T // G_TILE
NT = 23
SORT_ROWS = NT * TILE
NW = 32
ROWS_PER_W = T // NW


def _gating_body(x_ref, wg_ref, bg_ref, dest_ref, cnt_ref,
                 carry, eid_scr, rank_scr):
    i = pl.program_id(0)

    @pl.when(i == 0)
    def _():
        carry[...] = jnp.zeros_like(carry)

    @pl.when(i < N_G)
    def _():
        logits = (
            jnp.dot(x_ref[...], wg_ref[...], preferred_element_type=jnp.float32)
            + bg_ref[...].reshape(1, E)
        )
        eio = lax.broadcasted_iota(jnp.int32, (G_TILE, E), 1)
        mx = jnp.max(logits, axis=1, keepdims=True)
        eid = jnp.min(jnp.where(logits == mx, eio, E), axis=1, keepdims=True)
        onehot = (eio == eid).astype(jnp.float32)
        r_io = lax.broadcasted_iota(jnp.int32, (G_TILE, G_TILE), 0)
        c_io = lax.broadcasted_iota(jnp.int32, (G_TILE, G_TILE), 1)
        tri = (c_io < r_io).astype(jnp.bfloat16)
        run = (
            jnp.dot(tri, onehot.astype(jnp.bfloat16),
                    preferred_element_type=jnp.float32)
            + carry[...]
        )
        rank = jnp.sum(run * onehot, axis=1, keepdims=True)
        carry[...] = carry[...] + jnp.sum(onehot, axis=0, keepdims=True)
        idx = jnp.minimum(i, N_G - 1)
        eid_scr[pl.ds(idx * G_TILE, G_TILE), :] = jnp.broadcast_to(
            eid, (G_TILE, E)
        )
        rank_scr[pl.ds(idx * G_TILE, G_TILE), :] = jnp.broadcast_to(
            rank.astype(jnp.int32), (G_TILE, E)
        )

    @pl.when(i == N_G)
    def _():
        counts = carry[...]
        padded = jnp.floor((counts + (TILE - 1)) / TILE) * TILE
        e_r = lax.broadcasted_iota(jnp.int32, (E, E), 0)
        e_c = lax.broadcasted_iota(jnp.int32, (E, E), 1)
        tri8 = (e_r < e_c).astype(jnp.float32)
        offs = jnp.dot(padded, tri8, preferred_element_type=jnp.float32)
        eid_all = eid_scr[...]
        onehot_all = (lax.broadcasted_iota(jnp.int32, (T, E), 1) == eid_all)
        tok_off = jnp.sum(
            jnp.where(onehot_all, offs, 0.0), axis=1, keepdims=True
        )
        dest_col = tok_off.astype(jnp.int32) + rank_scr[:, :1]
        dest_ref[...] = jnp.transpose(dest_col).reshape(T)
        cnt_ref[...] = jnp.broadcast_to(counts.astype(jnp.int32), (E, E))


def _gating(x, wg, bg):
    return pl.pallas_call(
        _gating_body,
        grid=(N_G + 1,),
        in_specs=[
            pl.BlockSpec((G_TILE, D_IN), lambda i: (jnp.minimum(i, N_G - 1), 0)),
            pl.BlockSpec((D_IN, E), lambda i: (0, 0)),
            pl.BlockSpec((E,), lambda i: (0,)),
        ],
        out_specs=[
            pl.BlockSpec((T,), lambda i: (0,)),
            pl.BlockSpec((E, E), lambda i: (0, 0)),
        ],
        out_shape=[
            jax.ShapeDtypeStruct((T,), jnp.int32),
            jax.ShapeDtypeStruct((E, E), jnp.int32),
        ],
        scratch_shapes=[
            pltpu.VMEM((1, E), jnp.float32),
            pltpu.VMEM((T, E), jnp.int32),
            pltpu.VMEM((T, E), jnp.int32),
        ],
        compiler_params=pltpu.CompilerParams(
            dimension_semantics=("arbitrary",)
        ),
    )(x, wg, bg)


@functools.cache
def _sc_mesh():
    return plsc.VectorSubcoreMesh(
        core_axis_name="c", subcore_axis_name="s", num_cores=2, num_subcores=16
    )


def _scatter_body(x_hbm, dest_hbm, xs_hbm, destv, xv):
    wid = lax.axis_index("s") * 2 + lax.axis_index("c")
    base = wid * ROWS_PER_W
    pltpu.sync_copy(dest_hbm.at[pl.ds(base, ROWS_PER_W)], destv)
    pltpu.sync_copy(x_hbm.at[pl.ds(base, ROWS_PER_W)], xv)
    pltpu.sync_copy(xv, xs_hbm.at[destv])


@functools.cache
def _scatter():
    return pl.kernel(
        _scatter_body,
        out_type=jax.ShapeDtypeStruct((SORT_ROWS, D_IN), jnp.float32),
        mesh=_sc_mesh(),
        scratch_types=[
            pltpu.VMEM((ROWS_PER_W,), jnp.int32),
            pltpu.VMEM((ROWS_PER_W, D_IN), jnp.float32),
        ],
    )


def _gather_body(os_hbm, dest_hbm, out_hbm, destv, rows, sem):
    wid = lax.axis_index("s") * 2 + lax.axis_index("c")
    base = wid * ROWS_PER_W
    pltpu.sync_copy(dest_hbm.at[pl.ds(base, ROWS_PER_W)], destv)
    pltpu.async_copy(os_hbm.at[destv], rows, sem).wait()
    pltpu.sync_copy(rows, out_hbm.at[pl.ds(base, ROWS_PER_W)])


@functools.cache
def _gather():
    return pl.kernel(
        _gather_body,
        out_type=jax.ShapeDtypeStruct((T, D_OUT), jnp.float32),
        mesh=_sc_mesh(),
        scratch_types=[
            pltpu.VMEM((ROWS_PER_W,), jnp.int32),
            pltpu.VMEM((ROWS_PER_W, D_OUT), jnp.float32),
            pltpu.SemaphoreType.DMA,
        ],
    )


def _tile_expert(i, cnt):
    off = jnp.int32(0)
    te = jnp.int32(0)
    for e in range(E):
        te = jnp.where(i * TILE >= off, e, te)
        off = off + ((cnt[0, e] + (TILE - 1)) // TILE) * TILE
    return te


def _mm_body(cnt_ref, xs_ref, w_ref, b_ref, o_ref):
    te = _tile_expert(pl.program_id(0), cnt_ref)
    o_ref[...] = (
        jnp.dot(
            xs_ref[...].astype(jnp.bfloat16),
            w_ref[0].astype(jnp.bfloat16),
            preferred_element_type=jnp.float32,
        )
        + b_ref[pl.ds(te, 1), :]
    )


def _grouped_matmul(counts, xs, w, b):
    grid_spec = pltpu.PrefetchScalarGridSpec(
        num_scalar_prefetch=1,
        grid=(NT,),
        in_specs=[
            pl.BlockSpec((TILE, D_IN), lambda i, c: (i, 0)),
            pl.BlockSpec(
                (1, D_IN, D_OUT), lambda i, c: (_tile_expert(i, c), 0, 0)
            ),
            pl.BlockSpec((E, D_OUT), lambda i, c: (0, 0)),
        ],
        out_specs=pl.BlockSpec((TILE, D_OUT), lambda i, c: (i, 0)),
    )
    return pl.pallas_call(
        _mm_body,
        grid_spec=grid_spec,
        out_shape=jax.ShapeDtypeStruct((SORT_ROWS, D_OUT), jnp.float32),
        input_output_aliases={1: 0},
        compiler_params=pltpu.CompilerParams(
            dimension_semantics=("arbitrary",)
        ),
    )(counts, xs, w, b)


def kernel(x, Wg, bg, W, b):
    hbm = pltpu.MemorySpace.HBM
    dest, cnt88 = _gating(
        pltpu.with_memory_space_constraint(x, hbm),
        pltpu.with_memory_space_constraint(Wg, hbm),
        pltpu.with_memory_space_constraint(bg, hbm),
    )
    xs = _scatter()(x, dest)
    os = _grouped_matmul(
        cnt88,
        pltpu.with_memory_space_constraint(xs, hbm),
        W,
        pltpu.with_memory_space_constraint(b, hbm),
    )
    return _gather()(pltpu.with_memory_space_constraint(os, hbm), dest)

# --- scband reference (transcript-rebuilt; emitter-appended) ---
"""Pipeline reference for scband-mo-e-14396730376790 (READ-ONLY COPY).

The authoritative reference and input builder live on the scoring server;
editing this copy changes nothing except your own understanding.
"""

import jax, jax.numpy as jnp
import numpy as np

NUM_EXPERTS = 8
D_IN = 1024
D_OUT = 1024
N_TOK = 2048


def setup_inputs(seed: int = 0) -> dict:
    key = jax.random.key(seed)
    k_x, k_wg, k_bg, k_w, k_b = jax.random.split(key, 5)
    x = jax.random.normal(k_x, (N_TOK, D_IN), dtype=jnp.float32)
    # gating network Linear(input_dim, num_experts): torch weight [E, D_in], bias [E]
    lim_g = 1.0 / np.sqrt(D_IN)
    Wg = jax.random.uniform(k_wg, (D_IN, NUM_EXPERTS), dtype=jnp.float32, minval=-lim_g, maxval=lim_g)
    bg = jax.random.uniform(k_bg, (NUM_EXPERTS,), dtype=jnp.float32, minval=-lim_g, maxval=lim_g)
    # expert linears Linear(input_dim, output_dim); store as [E, D_in, D_out] for einsum
    lim = 1.0 / np.sqrt(D_IN)
    W = jax.random.uniform(k_w, (NUM_EXPERTS, D_IN, D_OUT), dtype=jnp.float32, minval=-lim, maxval=lim)
    b = jax.random.uniform(k_b, (NUM_EXPERTS, D_OUT), dtype=jnp.float32, minval=-lim, maxval=lim)
    return {"x": x, "Wg": Wg, "bg": bg, "W": W, "b": b}


def reference(x, Wg, bg, W, b):
    # GatingNetwork: softmax(Linear(x))
    gate_outputs = jax.nn.softmax(x @ Wg + bg, axis=-1)  # [T, E]
    # top-1 expert selection per token
    _top_k_values, top_k_indices = jax.lax.top_k(gate_outputs, 1)  # [T, 1]
    selected_expert_idx = top_k_indices.squeeze(-1)  # [T]
    # per-token expert Linear: compute all experts, then select (vectorized
    # equivalent of the per-sample python loop in the torch module)
    out_all = jnp.einsum('td,edo->teo', x, W) + b[None, :, :]  # [T, E, D_out]
    output = jnp.take_along_axis(out_all, selected_expert_idx[:, None, None], axis=1).squeeze(1)  # [T, D_out]
    return output

if __name__ == "__main__":
    import jax
    _d = setup_inputs()
    print(jax.jit(kernel)(*tuple(_d.values())))

</pallas_src>

<mosaic_0001>
#map = affine_map<(d0, d1) -> (0, 0)>
#map1 = affine_map<(d0, d1) -> (0)>
module attributes {stable_mosaic.version = 14 : i64} {
  func.func @_gather_body(%arg0: i32, %arg1: i32, %arg2: memref<2944x1024xf32, #tpu.memory_space<hbm>>, %arg3: memref<2048xi32, #tpu.memory_space<hbm>>, %arg4: memref<2048x1024xf32, #tpu.memory_space<hbm>>, %arg5: memref<64xi32, #tpu.memory_space<vmem>>, %arg6: memref<64x1024xf32, #tpu.memory_space<vmem>>, %arg7: memref<!tpu.dma_semaphore, #tpu.memory_space<semaphore_mem>>) attributes {dimension_semantics = [#tpu.dimension_semantics<core_parallel>, #tpu.dimension_semantics<subcore_parallel>], iteration_bounds = array<i64: 2, 16>, scalar_prefetch = 0 : i64, scratch_operands = 3 : i64, tpu.core_type = #tpu.core_type<sc_vector_subcore>, window_params = [{transform_indices = #map}, {transform_indices = #map1}, {transform_indices = #map}]} {
    %mul3A = arith.constant 2 : i32
    %mul3A_0 = arith.muli %arg1, %mul3A : i32
    %add3A = arith.addi %mul3A_0, %arg0 : i32
    %mul3A_1 = arith.constant 64 : i32
    %mul3A_2 = arith.muli %add3A, %mul3A_1 : i32
    "tpu.region"() ({
      %run_scoped3A = tpu.sem_alloc : memref<!tpu.dma_semaphore, #tpu.memory_space<semaphore_mem>>
      %dma_start3A_7 = tpu.memref_slice %arg3[%mul3A_2] : memref<2048xi32, #tpu.memory_space<hbm>> -> memref<64xi32, #tpu.memory_space<hbm>>
      %dma_start3A_8 = tpu.memref_slice %arg3[%mul3A_2] : memref<2048xi32, #tpu.memory_space<hbm>> -> memref<64xi32, #tpu.memory_space<hbm>>
      tpu.enqueue_dma source(%dma_start3A_8 : memref<64xi32, #tpu.memory_space<hbm>>) target(%arg5 : memref<64xi32, #tpu.memory_space<vmem>>) target_semaphore(%run_scoped3A : memref<!tpu.dma_semaphore, #tpu.memory_space<semaphore_mem>>)
      %dma_wait3A_9 = tpu.memref_slice %arg3[%mul3A_2] : memref<2048xi32, #tpu.memory_space<hbm>> -> memref<64xi32, #tpu.memory_space<hbm>>
      %dma_wait3A_10 = tpu.memref_slice %arg3[%mul3A_2] : memref<2048xi32, #tpu.memory_space<hbm>> -> memref<64xi32, #tpu.memory_space<hbm>>
      tpu.wait_dma2 semaphore(%run_scoped3A : memref<!tpu.dma_semaphore, #tpu.memory_space<semaphore_mem>>) src(%dma_wait3A_10 : memref<64xi32, #tpu.memory_space<hbm>>) dst(%arg5 : memref<64xi32, #tpu.memory_space<vmem>>)
      tpu.yield
    }) : () -> ()
    %dma_start3A = arith.constant 0 : i32
    %dma_start3A_3 = arith.constant 0 : i32
    %dma_start3A_4 = tpu.memref_slice %arg2[%dma_start3A, %dma_start3A_3] : memref<2944x1024xf32, #tpu.memory_space<hbm>> -> memref<2944x1024xf32, #tpu.memory_space<hbm>>
    tpu.enqueue_indirect_dma source(%dma_start3A_4 : memref<2944x1024xf32, #tpu.memory_space<hbm>>) target(%arg6 : memref<64x1024xf32, #tpu.memory_space<vmem>>) offsets(%arg5 : memref<64xi32, #tpu.memory_space<vmem>>) semaphore(%arg7 : memref<!tpu.dma_semaphore, #tpu.memory_space<semaphore_mem>>)
    %dma_wait3A = arith.constant 0 : i32
    %dma_wait3A_5 = arith.constant 0 : i32
    %dma_wait3A_6 = tpu.memref_slice %arg2[%dma_wait3A, %dma_wait3A_5] : memref<2944x1024xf32, #tpu.memory_space<hbm>> -> memref<2944x1024xf32, #tpu.memory_space<hbm>>
    tpu.wait_indirect_dma semaphore(%arg7 : memref<!tpu.dma_semaphore, #tpu.memory_space<semaphore_mem>>) src(%dma_wait3A_6 : memref<2944x1024xf32, #tpu.memory_space<hbm>>) dst(%arg6 : memref<64x1024xf32, #tpu.memory_space<vmem>>)
    "tpu.region"() ({
      %run_scoped3A = tpu.sem_alloc : memref<!tpu.dma_semaphore, #tpu.memory_space<semaphore_mem>>
      %dma_start3A_7 = arith.constant 0 : i32
      %dma_start3A_8 = tpu.memref_slice %arg4[%mul3A_2, %dma_start3A_7] : memref<2048x1024xf32, #tpu.memory_space<hbm>> -> memref<64x1024xf32, #tpu.memory_space<hbm>>
      %dma_start3A_9 = arith.constant 0 : i32
      %dma_start3A_10 = tpu.memref_slice %arg4[%mul3A_2, %dma_start3A_9] : memref<2048x1024xf32, #tpu.memory_space<hbm>> -> memref<64x1024xf32, #tpu.memory_space<hbm>>
      tpu.enqueue_dma source(%arg6 : memref<64x1024xf32, #tpu.memory_space<vmem>>) target(%dma_start3A_10 : memref<64x1024xf32, #tpu.memory_space<hbm>>) target_semaphore(%run_scoped3A : memref<!tpu.dma_semaphore, #tpu.memory_space<semaphore_mem>>)
      %dma_wait3A_11 = arith.constant 0 : i32
      %dma_wait3A_12 = tpu.memref_slice %arg4[%mul3A_2, %dma_wait3A_11] : memref<2048x1024xf32, #tpu.memory_space<hbm>> -> memref<64x1024xf32, #tpu.memory_space<hbm>>
      %dma_wait3A_13 = arith.constant 0 : i32
      %dma_wait3A_14 = tpu.memref_slice %arg4[%mul3A_2, %dma_wait3A_13] : memref<2048x1024xf32, #tpu.memory_space<hbm>> -> memref<64x1024xf32, #tpu.memory_space<hbm>>
      tpu.wait_dma2 semaphore(%run_scoped3A : memref<!tpu.dma_semaphore, #tpu.memory_space<semaphore_mem>>) src(%arg6 : memref<64x1024xf32, #tpu.memory_space<vmem>>) dst(%dma_wait3A_14 : memref<64x1024xf32, #tpu.memory_space<hbm>>)
      tpu.yield
    }) : () -> ()
    return
  }
}

#map = affine_map<(d0, d1) -> (0, 0)>
#map1 = affine_map<(d0, d1) -> (0)>
module attributes {stable_mosaic.version = 14 : i64} {
  func.func @_scatter_body(%arg0: i32, %arg1: i32, %arg2: memref<2048x1024xf32, #tpu.memory_space<hbm>>, %arg3: memref<2048xi32, #tpu.memory_space<hbm>>, %arg4: memref<2944x1024xf32, #tpu.memory_space<hbm>>, %arg5: memref<64xi32, #tpu.memory_space<vmem>>, %arg6: memref<64x1024xf32, #tpu.memory_space<vmem>>) attributes {dimension_semantics = [#tpu.dimension_semantics<core_parallel>, #tpu.dimension_semantics<subcore_parallel>], iteration_bounds = array<i64: 2, 16>, scalar_prefetch = 0 : i64, scratch_operands = 2 : i64, tpu.core_type = #tpu.core_type<sc_vector_subcore>, window_params = [{transform_indices = #map}, {transform_indices = #map1}, {transform_indices = #map}]} {
    %mul3A = arith.constant 2 : i32
    %mul3A_0 = arith.muli %arg1, %mul3A : i32
    %add3A = arith.addi %mul3A_0, %arg0 : i32
    %mul3A_1 = arith.constant 64 : i32
    %mul3A_2 = arith.muli %add3A, %mul3A_1 : i32
    "tpu.region"() ({
      %run_scoped3A = tpu.sem_alloc : memref<!tpu.dma_semaphore, #tpu.memory_space<semaphore_mem>>
      %dma_start3A = tpu.memref_slice %arg3[%mul3A_2] : memref<2048xi32, #tpu.memory_space<hbm>> -> memref<64xi32, #tpu.memory_space<hbm>>
      %dma_start3A_3 = tpu.memref_slice %arg3[%mul3A_2] : memref<2048xi32, #tpu.memory_space<hbm>> -> memref<64xi32, #tpu.memory_space<hbm>>
      tpu.enqueue_dma source(%dma_start3A_3 : memref<64xi32, #tpu.memory_space<hbm>>) target(%arg5 : memref<64xi32, #tpu.memory_space<vmem>>) target_semaphore(%run_scoped3A : memref<!tpu.dma_semaphore, #tpu.memory_space<semaphore_mem>>)
      %dma_wait3A = tpu.memref_slice %arg3[%mul3A_2] : memref<2048xi32, #tpu.memory_space<hbm>> -> memref<64xi32, #tpu.memory_space<hbm>>
      %dma_wait3A_4 = tpu.memref_slice %arg3[%mul3A_2] : memref<2048xi32, #tpu.memory_space<hbm>> -> memref<64xi32, #tpu.memory_space<hbm>>
      tpu.wait_dma2 semaphore(%run_scoped3A : memref<!tpu.dma_semaphore, #tpu.memory_space<semaphore_mem>>) src(%dma_wait3A_4 : memref<64xi32, #tpu.memory_space<hbm>>) dst(%arg5 : memref<64xi32, #tpu.memory_space<vmem>>)
      tpu.yield
    }) : () -> ()
    "tpu.region"() ({
      %run_scoped3A = tpu.sem_alloc : memref<!tpu.dma_semaphore, #tpu.memory_space<semaphore_mem>>
      %dma_start3A = arith.constant 0 : i32
      %dma_start3A_3 = tpu.memref_slice %arg2[%mul3A_2, %dma_start3A] : memref<2048x1024xf32, #tpu.memory_space<hbm>> -> memref<64x1024xf32, #tpu.memory_space<hbm>>
      %dma_start3A_4 = arith.constant 0 : i32
      %dma_start3A_5 = tpu.memref_slice %arg2[%mul3A_2, %dma_start3A_4] : memref<2048x1024xf32, #tpu.memory_space<hbm>> -> memref<64x1024xf32, #tpu.memory_space<hbm>>
      tpu.enqueue_dma source(%dma_start3A_5 : memref<64x1024xf32, #tpu.memory_space<hbm>>) target(%arg6 : memref<64x1024xf32, #tpu.memory_space<vmem>>) target_semaphore(%run_scoped3A : memref<!tpu.dma_semaphore, #tpu.memory_space<semaphore_mem>>)
      %dma_wait3A = arith.constant 0 : i32
      %dma_wait3A_6 = tpu.memref_slice %arg2[%mul3A_2, %dma_wait3A] : memref<2048x1024xf32, #tpu.memory_space<hbm>> -> memref<64x1024xf32, #tpu.memory_space<hbm>>
      %dma_wait3A_7 = arith.constant 0 : i32
      %dma_wait3A_8 = tpu.memref_slice %arg2[%mul3A_2, %dma_wait3A_7] : memref<2048x1024xf32, #tpu.memory_space<hbm>> -> memref<64x1024xf32, #tpu.memory_space<hbm>>
      tpu.wait_dma2 semaphore(%run_scoped3A : memref<!tpu.dma_semaphore, #tpu.memory_space<semaphore_mem>>) src(%dma_wait3A_8 : memref<64x1024xf32, #tpu.memory_space<hbm>>) dst(%arg6 : memref<64x1024xf32, #tpu.memory_space<vmem>>)
      tpu.yield
    }) : () -> ()
    "tpu.region"() ({
      %run_scoped3A = tpu.sem_alloc : memref<!tpu.dma_semaphore, #tpu.memory_space<semaphore_mem>>
      %dma_start3A = arith.constant 0 : i32
      %dma_start3A_3 = arith.constant 0 : i32
      %dma_start3A_4 = tpu.memref_slice %arg4[%dma_start3A, %dma_start3A_3] : memref<2944x1024xf32, #tpu.memory_space<hbm>> -> memref<2944x1024xf32, #tpu.memory_space<hbm>>
      tpu.enqueue_indirect_dma source(%arg6 : memref<64x1024xf32, #tpu.memory_space<vmem>>) target(%dma_start3A_4 : memref<2944x1024xf32, #tpu.memory_space<hbm>>) offsets(%arg5 : memref<64xi32, #tpu.memory_space<vmem>>) semaphore(%run_scoped3A : memref<!tpu.dma_semaphore, #tpu.memory_space<semaphore_mem>>)
      %dma_wait3A = arith.constant 0 : i32
      %dma_wait3A_5 = arith.constant 0 : i32
      %dma_wait3A_6 = tpu.memref_slice %arg4[%dma_wait3A, %dma_wait3A_5] : memref<2944x1024xf32, #tpu.memory_space<hbm>> -> memref<2944x1024xf32, #tpu.memory_space<hbm>>
      tpu.wait_indirect_dma semaphore(%run_scoped3A : memref<!tpu.dma_semaphore, #tpu.memory_space<semaphore_mem>>) src(%arg6 : memref<64x1024xf32, #tpu.memory_space<vmem>>) dst(%dma_wait3A_6 : memref<2944x1024xf32, #tpu.memory_space<hbm>>)
      tpu.yield
    }) : () -> ()
    return
  }
}

module attributes {stable_mosaic.version = 14 : i64} {
  func.func @_mm_body(%arg0: i32, %arg1: memref<8x8xi32, #tpu.memory_space<smem>>, %arg2: memref<128x1024xf32, #tpu.memory_space<vmem>>, %arg3: memref<1x1024x1024xf32, #tpu.memory_space<vmem>>, %arg4: memref<8x1024xf32, #tpu.memory_space<vmem>>, %arg5: memref<128x1024xf32, #tpu.memory_space<vmem>>) attributes {dimension_semantics = [#tpu.dimension_semantics<arbitrary>], iteration_bounds = array<i64: 23>, scalar_prefetch = 1 : i64, scratch_operands = 0 : i64, tpu.core_type = #tpu.core_type<tc>, window_params = [{transform_indices = @transform_0, window_bounds = array<i64: 128, 1024>}, {transform_indices = @transform_1, window_bounds = array<i64: 1, 1024, 1024>}, {pipeline_mode = #tpu.pipeline_mode<synchronous>, transform_indices = @transform_2, window_bounds = array<i64: 8, 1024>}, {transform_indices = @transform_3, window_bounds = array<i64: 128, 1024>}]} {
    %mul3A = arith.constant 128 : i32
    %mul3A_0 = arith.muli %arg0, %mul3A : i32
    %ge3A = arith.constant 0 : i32
    %ge3A_1 = arith.cmpi sge, %mul3A_0, %ge3A : i32
    %jit3A = arith.constant 0 : i32
    %jit3A_2 = arith.constant 0 : i32
    %select_n3A = arith.select %ge3A_1, %jit3A, %jit3A_2 : i32
    %get3A = arith.constant 0 : index
    %get3A_3 = arith.constant 0 : index
    %get3A_4 = memref.load %arg1[%get3A, %get3A_3] : memref<8x8xi32, #tpu.memory_space<smem>>
    %add3A = arith.constant 127 : i32
    %add3A_5 = arith.addi %get3A_4, %add3A : i32
    %jit3A_6 = arith.constant 128 : i32
    %div3A = arith.divsi %add3A_5, %jit3A_6 : i32
    %sign3A = arith.constant 0 : i32
    %sign3A_7 = arith.cmpi sgt, %add3A_5, %sign3A : i32
    %sign3A_8 = arith.extui %sign3A_7 : i1 to i32
    %sign3A_9 = arith.constant 0 : i32
    %sign3A_10 = arith.cmpi slt, %add3A_5, %sign3A_9 : i32
    %sign3A_11 = arith.extui %sign3A_10 : i1 to i32
    %sign3A_12 = arith.subi %sign3A_8, %sign3A_11 : i32
    %sign3A_13 = arith.constant 0 : i32
    %sign3A_14 = arith.cmpi sgt, %jit3A_6, %sign3A_13 : i32
    %sign3A_15 = arith.extui %sign3A_14 : i1 to i32
    %sign3A_16 = arith.constant 0 : i32
    %sign3A_17 = arith.cmpi slt, %jit3A_6, %sign3A_16 : i32
    %sign3A_18 = arith.extui %sign3A_17 : i1 to i32
    %sign3A_19 = arith.subi %sign3A_15, %sign3A_18 : i32
    %ne3A = arith.cmpi ne, %sign3A_12, %sign3A_19 : i32
    %rem3A = arith.remsi %add3A_5, %jit3A_6 : i32
    %ne3A_20 = arith.constant 0 : i32
    %ne3A_21 = arith.cmpi ne, %rem3A, %ne3A_20 : i32
    %and3A = arith.andi %ne3A, %ne3A_21 : i1
    %sub3A = arith.constant 1 : i32
    %sub3A_22 = arith.subi %div3A, %sub3A : i32
    %select_n3A_23 = arith.select %and3A, %sub3A_22, %div3A : i32
    %mul3A_24 = arith.constant 128 : i32
    %mul3A_25 = arith.muli %select_n3A_23, %mul3A_24 : i32
    %add3A_26 = arith.constant 0 : i32
    %add3A_27 = arith.addi %add3A_26, %mul3A_25 : i32
    %mul3A_28 = arith.constant 128 : i32
    %mul3A_29 = arith.muli %arg0, %mul3A_28 : i32
    %ge3A_30 = arith.cmpi sge, %mul3A_29, %add3A_27 : i32
    %jit3A_31 = arith.constant 1 : i32
    %select_n3A_32 = arith.select %ge3A_30, %jit3A_31, %select_n3A : i32
    %get3A_33 = arith.constant 0 : index
    %get3A_34 = arith.constant 1 : index
    %get3A_35 = memref.load %arg1[%get3A_33, %get3A_34] : memref<8x8xi32, #tpu.memory_space<smem>>
    %add3A_36 = arith.constant 127 : i32
    %add3A_37 = arith.addi %get3A_35, %add3A_36 : i32
    %jit3A_38 = arith.constant 128 : i32
    %div3A_39 = arith.divsi %add3A_37, %jit3A_38 : i32
    %sign3A_40 = arith.constant 0 : i32
    %sign3A_41 = arith.cmpi sgt, %add3A_37, %sign3A_40 : i32
    %sign3A_42 = arith.extui %sign3A_41 : i1 to i32
    %sign3A_43 = arith.constant 0 : i32
    %sign3A_44 = arith.cmpi slt, %add3A_37, %sign3A_43 : i32
    %sign3A_45 = arith.extui %sign3A_44 : i1 to i32
    %sign3A_46 = arith.subi %sign3A_42, %sign3A_45 : i32
    %sign3A_47 = arith.constant 0 : i32
    %sign3A_48 = arith.cmpi sgt, %jit3A_38, %sign3A_47 : i32
    %sign3A_49 = arith.extui %sign3A_48 : i1 to i32
    %sign3A_50 = arith.constant 0 : i32
    %sign3A_51 = arith.cmpi slt, %jit3A_38, %sign3A_50 : i32
    %sign3A_52 = arith.extui %sign3A_51 : i1 to i32
    %sign3A_53 = arith.subi %sign3A_49, %sign3A_52 : i32
    %ne3A_54 = arith.cmpi ne, %sign3A_46, %sign3A_53 : i32
    %rem3A_55 = arith.remsi %add3A_37, %jit3A_38 : i32
    %ne3A_56 = arith.constant 0 : i32
    %ne3A_57 = arith.cmpi ne, %rem3A_55, %ne3A_56 : i32
    %and3A_58 = arith.andi %ne3A_54, %ne3A_57 : i1
    %sub3A_59 = arith.constant 1 : i32
    %sub3A_60 = arith.subi %div3A_39, %sub3A_59 : i32
    %select_n3A_61 = arith.select %and3A_58, %sub3A_60, %div3A_39 : i32
    %mul3A_62 = arith.constant 128 : i32
    %mul3A_63 = arith.muli %select_n3A_61, %mul3A_62 : i32
    %add3A_64 = arith.addi %add3A_27, %mul3A_63 : i32
    %mul3A_65 = arith.constant 128 : i32
    %mul3A_66 = arith.muli %arg0, %mul3A_65 : i32
    %ge3A_67 = arith.cmpi sge, %mul3A_66, %add3A_64 : i32
    %jit3A_68 = arith.constant 2 : i32
    %select_n3A_69 = arith.select %ge3A_67, %jit3A_68, %select_n3A_32 : i32
    %get3A_70 = arith.constant 0 : index
    %get3A_71 = arith.constant 2 : index
    %get3A_72 = memref.load %arg1[%get3A_70, %get3A_71] : memref<8x8xi32, #tpu.memory_space<smem>>
    %add3A_73 = arith.constant 127 : i32
    %add3A_74 = arith.addi %get3A_72, %add3A_73 : i32
    %jit3A_75 = arith.constant 128 : i32
    %div3A_76 = arith.divsi %add3A_74, %jit3A_75 : i32
    %sign3A_77 = arith.constant 0 : i32
    %sign3A_78 = arith.cmpi sgt, %add3A_74, %sign3A_77 : i32
    %sign3A_79 = arith.extui %sign3A_78 : i1 to i32
    %sign3A_80 = arith.constant 0 : i32
    %sign3A_81 = arith.cmpi slt, %add3A_74, %sign3A_80 : i32
    %sign3A_82 = arith.extui %sign3A_81 : i1 to i32
    %sign3A_83 = arith.subi %sign3A_79, %sign3A_82 : i32
    %sign3A_84 = arith.constant 0 : i32
    %sign3A_85 = arith.cmpi sgt, %jit3A_75, %sign3A_84 : i32
    %sign3A_86 = arith.extui %sign3A_85 : i1 to i32
    %sign3A_87 = arith.constant 0 : i32
    %sign3A_88 = arith.cmpi slt, %jit3A_75, %sign3A_87 : i32
    %sign3A_89 = arith.extui %sign3A_88 : i1 to i32
    %sign3A_90 = arith.subi %sign3A_86, %sign3A_89 : i32
    %ne3A_91 = arith.cmpi ne, %sign3A_83, %sign3A_90 : i32
    %rem3A_92 = arith.remsi %add3A_74, %jit3A_75 : i32
    %ne3A_93 = arith.constant 0 : i32
    %ne3A_94 = arith.cmpi ne, %rem3A_92, %ne3A_93 : i32
    %and3A_95 = arith.andi %ne3A_91, %ne3A_94 : i1
    %sub3A_96 = arith.constant 1 : i32
    %sub3A_97 = arith.subi %div3A_76, %sub3A_96 : i32
    %select_n3A_98 = arith.select %and3A_95, %sub3A_97, %div3A_76 : i32
    %mul3A_99 = arith.constant 128 : i32
    %mul3A_100 = arith.muli %select_n3A_98, %mul3A_99 : i32
    %add3A_101 = arith.addi %add3A_64, %mul3A_100 : i32
    %mul3A_102 = arith.constant 128 : i32
    %mul3A_103 = arith.muli %arg0, %mul3A_102 : i32
    %ge3A_104 = arith.cmpi sge, %mul3A_103, %add3A_101 : i32
    %jit3A_105 = arith.constant 3 : i32
    %select_n3A_106 = arith.select %ge3A_104, %jit3A_105, %select_n3A_69 : i32
    %get3A_107 = arith.constant 0 : index
    %get3A_108 = arith.constant 3 : index
    %get3A_109 = memref.load %arg1[%get3A_107, %get3A_108] : memref<8x8xi32, #tpu.memory_space<smem>>
    %add3A_110 = arith.constant 127 : i32
    %add3A_111 = arith.addi %get3A_109, %add3A_110 : i32
    %jit3A_112 = arith.constant 128 : i32
    %div3A_113 = arith.divsi %add3A_111, %jit3A_112 : i32
    %sign3A_114 = arith.constant 0 : i32
    %sign3A_115 = arith.cmpi sgt, %add3A_111, %sign3A_114 : i32
    %sign3A_116 = arith.extui %sign3A_115 : i1 to i32
    %sign3A_117 = arith.constant 0 : i32
    %sign3A_118 = arith.cmpi slt, %add3A_111, %sign3A_117 : i32
    %sign3A_119 = arith.extui %sign3A_118 : i1 to i32
    %sign3A_120 = arith.subi %sign3A_116, %sign3A_119 : i32
    %sign3A_121 = arith.constant 0 : i32
    %sign3A_122 = arith.cmpi sgt, %jit3A_112, %sign3A_121 : i32
    %sign3A_123 = arith.extui %sign3A_122 : i1 to i32
    %sign3A_124 = arith.constant 0 : i32
    %sign3A_125 = arith.cmpi slt, %jit3A_112, %sign3A_124 : i32
    %sign3A_126 = arith.extui %sign3A_125 : i1 to i32
    %sign3A_127 = arith.subi %sign3A_123, %sign3A_126 : i32
    %ne3A_128 = arith.cmpi ne, %sign3A_120, %sign3A_127 : i32
    %rem3A_129 = arith.remsi %add3A_111, %jit3A_112 : i32
    %ne3A_130 = arith.constant 0 : i32
    %ne3A_131 = arith.cmpi ne, %rem3A_129, %ne3A_130 : i32
    %and3A_132 = arith.andi %ne3A_128, %ne3A_131 : i1
    %sub3A_133 = arith.constant 1 : i32
    %sub3A_134 = arith.subi %div3A_113, %sub3A_133 : i32
    %select_n3A_135 = arith.select %and3A_132, %sub3A_134, %div3A_113 : i32
    %mul3A_136 = arith.constant 128 : i32
    %mul3A_137 = arith.muli %select_n3A_135, %mul3A_136 : i32
    %add3A_138 = arith.addi %add3A_101, %mul3A_137 : i32
    %mul3A_139 = arith.constant 128 : i32
    %mul3A_140 = arith.muli %arg0, %mul3A_139 : i32
    %ge3A_141 = arith.cmpi sge, %mul3A_140, %add3A_138 : i32
    %jit3A_142 = arith.constant 4 : i32
    %select_n3A_143 = arith.select %ge3A_141, %jit3A_142, %select_n3A_106 : i32
    %get3A_144 = arith.constant 0 : index
    %get3A_145 = arith.constant 4 : index
    %get3A_146 = memref.load %arg1[%get3A_144, %get3A_145] : memref<8x8xi32, #tpu.memory_space<smem>>
    %add3A_147 = arith.constant 127 : i32
    %add3A_148 = arith.addi %get3A_146, %add3A_147 : i32
    %jit3A_149 = arith.constant 128 : i32
    %div3A_150 = arith.divsi %add3A_148, %jit3A_149 : i32
    %sign3A_151 = arith.constant 0 : i32
    %sign3A_152 = arith.cmpi sgt, %add3A_148, %sign3A_151 : i32
    %sign3A_153 = arith.extui %sign3A_152 : i1 to i32
    %sign3A_154 = arith.constant 0 : i32
    %sign3A_155 = arith.cmpi slt, %add3A_148, %sign3A_154 : i32
    %sign3A_156 = arith.extui %sign3A_155 : i1 to i32
    %sign3A_157 = arith.subi %sign3A_153, %sign3A_156 : i32
    %sign3A_158 = arith.constant 0 : i32
    %sign3A_159 = arith.cmpi sgt, %jit3A_149, %sign3A_158 : i32
    %sign3A_160 = arith.extui %sign3A_159 : i1 to i32
    %sign3A_161 = arith.constant 0 : i32
    %sign3A_162 = arith.cmpi slt, %jit3A_149, %sign3A_161 : i32
    %sign3A_163 = arith.extui %sign3A_162 : i1 to i32
    %sign3A_164 = arith.subi %sign3A_160, %sign3A_163 : i32
    %ne3A_165 = arith.cmpi ne, %sign3A_157, %sign3A_164 : i32
    %rem3A_166 = arith.remsi %add3A_148, %jit3A_149 : i32
    %ne3A_167 = arith.constant 0 : i32
    %ne3A_168 = arith.cmpi ne, %rem3A_166, %ne3A_167 : i32
    %and3A_169 = arith.andi %ne3A_165, %ne3A_168 : i1
    %sub3A_170 = arith.constant 1 : i32
    %sub3A_171 = arith.subi %div3A_150, %sub3A_170 : i32
    %select_n3A_172 = arith.select %and3A_169, %sub3A_171, %div3A_150 : i32
    %mul3A_173 = arith.constant 128 : i32
    %mul3A_174 = arith.muli %select_n3A_172, %mul3A_173 : i32
    %add3A_175 = arith.addi %add3A_138, %mul3A_174 : i32
    %mul3A_176 = arith.constant 128 : i32
    %mul3A_177 = arith.muli %arg0, %mul3A_176 : i32
    %ge3A_178 = arith.cmpi sge, %mul3A_177, %add3A_175 : i32
    %jit3A_179 = arith.constant 5 : i32
    %select_n3A_180 = arith.select %ge3A_178, %jit3A_179, %select_n3A_143 : i32
    %get3A_181 = arith.constant 0 : index
    %get3A_182 = arith.constant 5 : index
    %get3A_183 = memref.load %arg1[%get3A_181, %get3A_182] : memref<8x8xi32, #tpu.memory_space<smem>>
    %add3A_184 = arith.constant 127 : i32
    %add3A_185 = arith.addi %get3A_183, %add3A_184 : i32
    %jit3A_186 = arith.constant 128 : i32
    %div3A_187 = arith.divsi %add3A_185, %jit3A_186 : i32
    %sign3A_188 = arith.constant 0 : i32
    %sign3A_189 = arith.cmpi sgt, %add3A_185, %sign3A_188 : i32
    %sign3A_190 = arith.extui %sign3A_189 : i1 to i32
    %sign3A_191 = arith.constant 0 : i32
    %sign3A_192 = arith.cmpi slt, %add3A_185, %sign3A_191 : i32
    %sign3A_193 = arith.extui %sign3A_192 : i1 to i32
    %sign3A_194 = arith.subi %sign3A_190, %sign3A_193 : i32
    %sign3A_195 = arith.constant 0 : i32
    %sign3A_196 = arith.cmpi sgt, %jit3A_186, %sign3A_195 : i32
    %sign3A_197 = arith.extui %sign3A_196 : i1 to i32
    %sign3A_198 = arith.constant 0 : i32
    %sign3A_199 = arith.cmpi slt, %jit3A_186, %sign3A_198 : i32
    %sign3A_200 = arith.extui %sign3A_199 : i1 to i32
    %sign3A_201 = arith.subi %sign3A_197, %sign3A_200 : i32
    %ne3A_202 = arith.cmpi ne, %sign3A_194, %sign3A_201 : i32
    %rem3A_203 = arith.remsi %add3A_185, %jit3A_186 : i32
    %ne3A_204 = arith.constant 0 : i32
    %ne3A_205 = arith.cmpi ne, %rem3A_203, %ne3A_204 : i32
    %and3A_206 = arith.andi %ne3A_202, %ne3A_205 : i1
    %sub3A_207 = arith.constant 1 : i32
    %sub3A_208 = arith.subi %div3A_187, %sub3A_207 : i32
    %select_n3A_209 = arith.select %and3A_206, %sub3A_208, %div3A_187 : i32
    %mul3A_210 = arith.constant 128 : i32
    %mul3A_211 = arith.muli %select_n3A_209, %mul3A_210 : i32
    %add3A_212 = arith.addi %add3A_175, %mul3A_211 : i32
    %mul3A_213 = arith.constant 128 : i32
    %mul3A_214 = arith.muli %arg0, %mul3A_213 : i32
    %ge3A_215 = arith.cmpi sge, %mul3A_214, %add3A_212 : i32
    %jit3A_216 = arith.constant 6 : i32
    %select_n3A_217 = arith.select %ge3A_215, %jit3A_216, %select_n3A_180 : i32
    %get3A_218 = arith.constant 0 : index
    %get3A_219 = arith.constant 6 : index
    %get3A_220 = memref.load %arg1[%get3A_218, %get3A_219] : memref<8x8xi32, #tpu.memory_space<smem>>
    %add3A_221 = arith.constant 127 : i32
    %add3A_222 = arith.addi %get3A_220, %add3A_221 : i32
    %jit3A_223 = arith.constant 128 : i32
    %div3A_224 = arith.divsi %add3A_222, %jit3A_223 : i32
    %sign3A_225 = arith.constant 0 : i32
    %sign3A_226 = arith.cmpi sgt, %add3A_222, %sign3A_225 : i32
    %sign3A_227 = arith.extui %sign3A_226 : i1 to i32
    %sign3A_228 = arith.constant 0 : i32
    %sign3A_229 = arith.cmpi slt, %add3A_222, %sign3A_228 : i32
    %sign3A_230 = arith.extui %sign3A_229 : i1 to i32
    %sign3A_231 = arith.subi %sign3A_227, %sign3A_230 : i32
    %sign3A_232 = arith.constant 0 : i32
    %sign3A_233 = arith.cmpi sgt, %jit3A_223, %sign3A_232 : i32
    %sign3A_234 = arith.extui %sign3A_233 : i1 to i32
    %sign3A_235 = arith.constant 0 : i32
    %sign3A_236 = arith.cmpi slt, %jit3A_223, %sign3A_235 : i32
    %sign3A_237 = arith.extui %sign3A_236 : i1 to i32
    %sign3A_238 = arith.subi %sign3A_234, %sign3A_237 : i32
    %ne3A_239 = arith.cmpi ne, %sign3A_231, %sign3A_238 : i32
    %rem3A_240 = arith.remsi %add3A_222, %jit3A_223 : i32
    %ne3A_241 = arith.constant 0 : i32
    %ne3A_242 = arith.cmpi ne, %rem3A_240, %ne3A_241 : i32
    %and3A_243 = arith.andi %ne3A_239, %ne3A_242 : i1
    %sub3A_244 = arith.constant 1 : i32
    %sub3A_245 = arith.subi %div3A_224, %sub3A_244 : i32
    %select_n3A_246 = arith.select %and3A_243, %sub3A_245, %div3A_224 : i32
    %mul3A_247 = arith.constant 128 : i32
    %mul3A_248 = arith.muli %select_n3A_246, %mul3A_247 : i32
    %add3A_249 = arith.addi %add3A_212, %mul3A_248 : i32
    %mul3A_250 = arith.constant 128 : i32
    %mul3A_251 = arith.muli %arg0, %mul3A_250 : i32
    %ge3A_252 = arith.cmpi sge, %mul3A_251, %add3A_249 : i32
    %jit3A_253 = arith.constant 7 : i32
    %select_n3A_254 = arith.select %ge3A_252, %jit3A_253, %select_n3A_217 : i32
    %get3A_255 = arith.constant 0 : index
    %get3A_256 = arith.constant 0 : index
    %get3A_257 = vector.load %arg2[%get3A_255, %get3A_256] : memref<128x1024xf32, #tpu.memory_space<vmem>>, vector<128x1024xf32>
    %convert_element_type3A = arith.truncf %get3A_257 : vector<128x1024xf32> to vector<128x1024xbf16>
    %get3A_258 = arith.constant 0 : index
    %get3A_259 = arith.constant 0 : index
    %get3A_260 = arith.constant 0 : index
    %get3A_261 = vector.load %arg3[%get3A_258, %get3A_259, %get3A_260] : memref<1x1024x1024xf32, #tpu.memory_space<vmem>>, vector<1x1024x1024xf32>
    %get3A_262 = vector.shape_cast %get3A_261 : vector<1x1024x1024xf32> to vector<1024x1024xf32>
    %convert_element_type3A_263 = arith.truncf %get3A_262 : vector<1024x1024xf32> to vector<1024x1024xbf16>
    %dot_general3A = arith.constant dense<0.000000e+00> : vector<128x1024xf32>
    %dot_general3A_264 = tpu.matmul %convert_element_type3A, %convert_element_type3A_263, %dot_general3A {dimension_numbers = #tpu.dot_dimension_numbers<[1], [0], [0], [1], [0, 0, 1, 1], [], []>, transpose_lhs_hint = false} : vector<128x1024xbf16>, vector<1024x1024xbf16>, vector<128x1024xf32> -> vector<128x1024xf32>
    %get3A_265 = arith.index_cast %select_n3A_254 : i32 to index
    %get3A_266 = arith.constant 0 : index
    %get3A_267 = vector.load %arg4[%get3A_265, %get3A_266] : memref<8x1024xf32, #tpu.memory_space<vmem>>, vector<1x1024xf32>
    %add3A_268 = vector.broadcast %get3A_267 : vector<1x1024xf32> to vector<128x1024xf32>
    %add3A_269 = arith.addf %dot_general3A_264, %add3A_268 : vector<128x1024xf32>
    %swap3A = arith.constant 0 : index
    %swap3A_270 = arith.constant 0 : index
    %swap3A_271 = vector.load %arg5[%swap3A, %swap3A_270] : memref<128x1024xf32, #tpu.memory_space<vmem>>, vector<128x1024xf32>
    tpu.vector_store %arg5[%swap3A, %swap3A_270], %add3A_269 {strides = array<i32>} : memref<128x1024xf32, #tpu.memory_space<vmem>>, vector<128x1024xf32>,
    return
  }
  func.func @transform_0(%arg0: i32, %arg1: memref<8x8xi32, #tpu.memory_space<smem>>) -> (i32, i32) {
    %c0_i32 = arith.constant 0 : i32
    %c0_i32_0 = arith.constant 0 : i32
    return %arg0, %c0_i32 : i32, i32
  }
  func.func @transform_1(%arg0: i32, %arg1: memref<8x8xi32, #tpu.memory_space<smem>>) -> (i32, i32, i32) {
    %mul3A = arith.constant 128 : i32
    %mul3A_0 = arith.muli %arg0, %mul3A : i32
    %ge3A = arith.constant 0 : i32
    %ge3A_1 = arith.cmpi sge, %mul3A_0, %ge3A : i32
    %jit3A = arith.constant 0 : i32
    %jit3A_2 = arith.constant 0 : i32
    %select_n3A = arith.select %ge3A_1, %jit3A, %jit3A_2 : i32
    %get3A = arith.constant 0 : index
    %get3A_3 = arith.constant 0 : index
    %get3A_4 = memref.load %arg1[%get3A, %get3A_3] : memref<8x8xi32, #tpu.memory_space<smem>>
    %add3A = arith.constant 127 : i32
    %add3A_5 = arith.addi %get3A_4, %add3A : i32
    %jit3A_6 = arith.constant 128 : i32
    %div3A = arith.divsi %add3A_5, %jit3A_6 : i32
    %sign3A = arith.constant 0 : i32
    %sign3A_7 = arith.cmpi sgt, %add3A_5, %sign3A : i32
    %sign3A_8 = arith.extui %sign3A_7 : i1 to i32
    %sign3A_9 = arith.constant 0 : i32
    %sign3A_10 = arith.cmpi slt, %add3A_5, %sign3A_9 : i32
    %sign3A_11 = arith.extui %sign3A_10 : i1 to i32
    %sign3A_12 = arith.subi %sign3A_8, %sign3A_11 : i32
    %sign3A_13 = arith.constant 0 : i32
    %sign3A_14 = arith.cmpi sgt, %jit3A_6, %sign3A_13 : i32
    %sign3A_15 = arith.extui %sign3A_14 : i1 to i32
    %sign3A_16 = arith.constant 0 : i32
    %sign3A_17 = arith.cmpi slt, %jit3A_6, %sign3A_16 : i32
    %sign3A_18 = arith.extui %sign3A_17 : i1 to i32
    %sign3A_19 = arith.subi %sign3A_15, %sign3A_18 : i32
    %ne3A = arith.cmpi ne, %sign3A_12, %sign3A_19 : i32
    %rem3A = arith.remsi %add3A_5, %jit3A_6 : i32
    %ne3A_20 = arith.constant 0 : i32
    %ne3A_21 = arith.cmpi ne, %rem3A, %ne3A_20 : i32
    %and3A = arith.andi %ne3A, %ne3A_21 : i1
    %sub3A = arith.constant 1 : i32
    %sub3A_22 = arith.subi %div3A, %sub3A : i32
    %select_n3A_23 = arith.select %and3A, %sub3A_22, %div3A : i32
    %mul3A_24 = arith.constant 128 : i32
    %mul3A_25 = arith.muli %select_n3A_23, %mul3A_24 : i32
    %add3A_26 = arith.constant 0 : i32
    %add3A_27 = arith.addi %add3A_26, %mul3A_25 : i32
    %mul3A_28 = arith.constant 128 : i32
    %mul3A_29 = arith.muli %arg0, %mul3A_28 : i32
    %ge3A_30 = arith.cmpi sge, %mul3A_29, %add3A_27 : i32
    %jit3A_31 = arith.constant 1 : i32
    %select_n3A_32 = arith.select %ge3A_30, %jit3A_31, %select_n3A : i32
    %get3A_33 = arith.constant 0 : index
    %get3A_34 = arith.constant 1 : index
    %get3A_35 = memref.load %arg1[%get3A_33, %get3A_34] : memref<8x8xi32, #tpu.memory_space<smem>>
    %add3A_36 = arith.constant 127 : i32
    %add3A_37 = arith.addi %get3A_35, %add3A_36 : i32
    %jit3A_38 = arith.constant 128 : i32
    %div3A_39 = arith.divsi %add3A_37, %jit3A_38 : i32
    %sign3A_40 = arith.constant 0 : i32
    %sign3A_41 = arith.cmpi sgt, %add3A_37, %sign3A_40 : i32
    %sign3A_42 = arith.extui %sign3A_41 : i1 to i32
    %sign3A_43 = arith.constant 0 : i32
    %sign3A_44 = arith.cmpi slt, %add3A_37, %sign3A_43 : i32
    %sign3A_45 = arith.extui %sign3A_44 : i1 to i32
    %sign3A_46 = arith.subi %sign3A_42, %sign3A_45 : i32
    %sign3A_47 = arith.constant 0 : i32
    %sign3A_48 = arith.cmpi sgt, %jit3A_38, %sign3A_47 : i32
    %sign3A_49 = arith.extui %sign3A_48 : i1 to i32
    %sign3A_50 = arith.constant 0 : i32
    %sign3A_51 = arith.cmpi slt, %jit3A_38, %sign3A_50 : i32
    %sign3A_52 = arith.extui %sign3A_51 : i1 to i32
    %sign3A_53 = arith.subi %sign3A_49, %sign3A_52 : i32
    %ne3A_54 = arith.cmpi ne, %sign3A_46, %sign3A_53 : i32
    %rem3A_55 = arith.remsi %add3A_37, %jit3A_38 : i32
    %ne3A_56 = arith.constant 0 : i32
    %ne3A_57 = arith.cmpi ne, %rem3A_55, %ne3A_56 : i32
    %and3A_58 = arith.andi %ne3A_54, %ne3A_57 : i1
    %sub3A_59 = arith.constant 1 : i32
    %sub3A_60 = arith.subi %div3A_39, %sub3A_59 : i32
    %select_n3A_61 = arith.select %and3A_58, %sub3A_60, %div3A_39 : i32
    %mul3A_62 = arith.constant 128 : i32
    %mul3A_63 = arith.muli %select_n3A_61, %mul3A_62 : i32
    %add3A_64 = arith.addi %add3A_27, %mul3A_63 : i32
    %mul3A_65 = arith.constant 128 : i32
    %mul3A_66 = arith.muli %arg0, %mul3A_65 : i32
    %ge3A_67 = arith.cmpi sge, %mul3A_66, %add3A_64 : i32
    %jit3A_68 = arith.constant 2 : i32
    %select_n3A_69 = arith.select %ge3A_67, %jit3A_68, %select_n3A_32 : i32
    %get3A_70 = arith.constant 0 : index
    %get3A_71 = arith.constant 2 : index
    %get3A_72 = memref.load %arg1[%get3A_70, %get3A_71] : memref<8x8xi32, #tpu.memory_space<smem>>
    %add3A_73 = arith.constant 127 : i32
    %add3A_74 = arith.addi %get3A_72, %add3A_73 : i32
    %jit3A_75 = arith.constant 128 : i32
    %div3A_76 = arith.divsi %add3A_74, %jit3A_75 : i32
    %sign3A_77 = arith.constant 0 : i32
    %sign3A_78 = arith.cmpi sgt, %add3A_74, %sign3A_77 : i32
    %sign3A_79 = arith.extui %sign3A_78 : i1 to i32
    %sign3A_80 = arith.constant 0 : i32
    %sign3A_81 = arith.cmpi slt, %add3A_74, %sign3A_80 : i32
    %sign3A_82 = arith.extui %sign3A_81 : i1 to i32
    %sign3A_83 = arith.subi %sign3A_79, %sign3A_82 : i32
    %sign3A_84 = arith.constant 0 : i32
    %sign3A_85 = arith.cmpi sgt, %jit3A_75, %sign3A_84 : i32
    %sign3A_86 = arith.extui %sign3A_85 : i1 to i32
    %sign3A_87 = arith.constant 0 : i32
    %sign3A_88 = arith.cmpi slt, %jit3A_75, %sign3A_87 : i32
    %sign3A_89 = arith.extui %sign3A_88 : i1 to i32
    %sign3A_90 = arith.subi %sign3A_86, %sign3A_89 : i32
    %ne3A_91 = arith.cmpi ne, %sign3A_83, %sign3A_90 : i32
    %rem3A_92 = arith.remsi %add3A_74, %jit3A_75 : i32
    %ne3A_93 = arith.constant 0 : i32
    %ne3A_94 = arith.cmpi ne, %rem3A_92, %ne3A_93 : i32
    %and3A_95 = arith.andi %ne3A_91, %ne3A_94 : i1
    %sub3A_96 = arith.constant 1 : i32
    %sub3A_97 = arith.subi %div3A_76, %sub3A_96 : i32
    %select_n3A_98 = arith.select %and3A_95, %sub3A_97, %div3A_76 : i32
    %mul3A_99 = arith.constant 128 : i32
    %mul3A_100 = arith.muli %select_n3A_98, %mul3A_99 : i32
    %add3A_101 = arith.addi %add3A_64, %mul3A_100 : i32
    %mul3A_102 = arith.constant 128 : i32
    %mul3A_103 = arith.muli %arg0, %mul3A_102 : i32
    %ge3A_104 = arith.cmpi sge, %mul3A_103, %add3A_101 : i32
    %jit3A_105 = arith.constant 3 : i32
    %select_n3A_106 = arith.select %ge3A_104, %jit3A_105, %select_n3A_69 : i32
    %get3A_107 = arith.constant 0 : index
    %get3A_108 = arith.constant 3 : index
    %get3A_109 = memref.load %arg1[%get3A_107, %get3A_108] : memref<8x8xi32, #tpu.memory_space<smem>>
    %add3A_110 = arith.constant 127 : i32
    %add3A_111 = arith.addi %get3A_109, %add3A_110 : i32
    %jit3A_112 = arith.constant 128 : i32
    %div3A_113 = arith.divsi %add3A_111, %jit3A_112 : i32
    %sign3A_114 = arith.constant 0 : i32
    %sign3A_115 = arith.cmpi sgt, %add3A_111, %sign3A_114 : i32
    %sign3A_116 = arith.extui %sign3A_115 : i1 to i32
    %sign3A_117 = arith.constant 0 : i32
    %sign3A_118 = arith.cmpi slt, %add3A_111, %sign3A_117 : i32
    %sign3A_119 = arith.extui %sign3A_118 : i1 to i32
    %sign3A_120 = arith.subi %sign3A_116, %sign3A_119 : i32
    %sign3A_121 = arith.constant 0 : i32
    %sign3A_122 = arith.cmpi sgt, %jit3A_112, %sign3A_121 : i32
    %sign3A_123 = arith.extui %sign3A_122 : i1 to i32
    %sign3A_124 = arith.constant 0 : i32
    %sign3A_125 = arith.cmpi slt, %jit3A_112, %sign3A_124 : i32
    %sign3A_126 = arith.extui %sign3A_125 : i1 to i32
    %sign3A_127 = arith.subi %sign3A_123, %sign3A_126 : i32
    %ne3A_128 = arith.cmpi ne, %sign3A_120, %sign3A_127 : i32
    %rem3A_129 = arith.remsi %add3A_111, %jit3A_112 : i32
    %ne3A_130 = arith.constant 0 : i32
    %ne3A_131 = arith.cmpi ne, %rem3A_129, %ne3A_130 : i32
    %and3A_132 = arith.andi %ne3A_128, %ne3A_131 : i1
    %sub3A_133 = arith.constant 1 : i32
    %sub3A_134 = arith.subi %div3A_113, %sub3A_133 : i32
    %select_n3A_135 = arith.select %and3A_132, %sub3A_134, %div3A_113 : i32
    %mul3A_136 = arith.constant 128 : i32
    %mul3A_137 = arith.muli %select_n3A_135, %mul3A_136 : i32
    %add3A_138 = arith.addi %add3A_101, %mul3A_137 : i32
    %mul3A_139 = arith.constant 128 : i32
    %mul3A_140 = arith.muli %arg0, %mul3A_139 : i32
    %ge3A_141 = arith.cmpi sge, %mul3A_140, %add3A_138 : i32
    %jit3A_142 = arith.constant 4 : i32
    %select_n3A_143 = arith.select %ge3A_141, %jit3A_142, %select_n3A_106 : i32
    %get3A_144 = arith.constant 0 : index
    %get3A_145 = arith.constant 4 : index
    %get3A_146 = memref.load %arg1[%get3A_144, %get3A_145] : memref<8x8xi32, #tpu.memory_space<smem>>
    %add3A_147 = arith.constant 127 : i32
    %add3A_148 = arith.addi %get3A_146, %add3A_147 : i32
    %jit3A_149 = arith.constant 128 : i32
    %div3A_150 = arith.divsi %add3A_148, %jit3A_149 : i32
    %sign3A_151 = arith.constant 0 : i32
    %sign3A_152 = arith.cmpi sgt, %add3A_148, %sign3A_151 : i32
    %sign3A_153 = arith.extui %sign3A_152 : i1 to i32
    %sign3A_154 = arith.constant 0 : i32
    %sign3A_155 = arith.cmpi slt, %add3A_148, %sign3A_154 : i32
    %sign3A_156 = arith.extui %sign3A_155 : i1 to i32
    %sign3A_157 = arith.subi %sign3A_153, %sign3A_156 : i32
    %sign3A_158 = arith.constant 0 : i32
    %sign3A_159 = arith.cmpi sgt, %jit3A_149, %sign3A_158 : i32
    %sign3A_160 = arith.extui %sign3A_159 : i1 to i32
    %sign3A_161 = arith.constant 0 : i32
    %sign3A_162 = arith.cmpi slt, %jit3A_149, %sign3A_161 : i32
    %sign3A_163 = arith.extui %sign3A_162 : i1 to i32
    %sign3A_164 = arith.subi %sign3A_160, %sign3A_163 : i32
    %ne3A_165 = arith.cmpi ne, %sign3A_157, %sign3A_164 : i32
    %rem3A_166 = arith.remsi %add3A_148, %jit3A_149 : i32
    %ne3A_167 = arith.constant 0 : i32
    %ne3A_168 = arith.cmpi ne, %rem3A_166, %ne3A_167 : i32
    %and3A_169 = arith.andi %ne3A_165, %ne3A_168 : i1
    %sub3A_170 = arith.constant 1 : i32
    %sub3A_171 = arith.subi %div3A_150, %sub3A_170 : i32
    %select_n3A_172 = arith.select %and3A_169, %sub3A_171, %div3A_150 : i32
    %mul3A_173 = arith.constant 128 : i32
    %mul3A_174 = arith.muli %select_n3A_172, %mul3A_173 : i32
    %add3A_175 = arith.addi %add3A_138, %mul3A_174 : i32
    %mul3A_176 = arith.constant 128 : i32
    %mul3A_177 = arith.muli %arg0, %mul3A_176 : i32
    %ge3A_178 = arith.cmpi sge, %mul3A_177, %add3A_175 : i32
    %jit3A_179 = arith.constant 5 : i32
    %select_n3A_180 = arith.select %ge3A_178, %jit3A_179, %select_n3A_143 : i32
    %get3A_181 = arith.constant 0 : index
    %get3A_182 = arith.constant 5 : index
    %get3A_183 = memref.load %arg1[%get3A_181, %get3A_182] : memref<8x8xi32, #tpu.memory_space<smem>>
    %add3A_184 = arith.constant 127 : i32
    %add3A_185 = arith.addi %get3A_183, %add3A_184 : i32
    %jit3A_186 = arith.constant 128 : i32
    %div3A_187 = arith.divsi %add3A_185, %jit3A_186 : i32
    %sign3A_188 = arith.constant 0 : i32
    %sign3A_189 = arith.cmpi sgt, %add3A_185, %sign3A_188 : i32
    %sign3A_190 = arith.extui %sign3A_189 : i1 to i32
    %sign3A_191 = arith.constant 0 : i32
    %sign3A_192 = arith.cmpi slt, %add3A_185, %sign3A_191 : i32
    %sign3A_193 = arith.extui %sign3A_192 : i1 to i32
    %sign3A_194 = arith.subi %sign3A_190, %sign3A_193 : i32
    %sign3A_195 = arith.constant 0 : i32
    %sign3A_196 = arith.cmpi sgt, %jit3A_186, %sign3A_195 : i32
    %sign3A_197 = arith.extui %sign3A_196 : i1 to i32
    %sign3A_198 = arith.constant 0 : i32
    %sign3A_199 = arith.cmpi slt, %jit3A_186, %sign3A_198 : i32
    %sign3A_200 = arith.extui %sign3A_199 : i1 to i32
    %sign3A_201 = arith.subi %sign3A_197, %sign3A_200 : i32
    %ne3A_202 = arith.cmpi ne, %sign3A_194, %sign3A_201 : i32
    %rem3A_203 = arith.remsi %add3A_185, %jit3A_186 : i32
    %ne3A_204 = arith.constant 0 : i32
    %ne3A_205 = arith.cmpi ne, %rem3A_203, %ne3A_204 : i32
    %and3A_206 = arith.andi %ne3A_202, %ne3A_205 : i1
    %sub3A_207 = arith.constant 1 : i32
    %sub3A_208 = arith.subi %div3A_187, %sub3A_207 : i32
    %select_n3A_209 = arith.select %and3A_206, %sub3A_208, %div3A_187 : i32
    %mul3A_210 = arith.constant 128 : i32
    %mul3A_211 = arith.muli %select_n3A_209, %mul3A_210 : i32
    %add3A_212 = arith.addi %add3A_175, %mul3A_211 : i32
    %mul3A_213 = arith.constant 128 : i32
    %mul3A_214 = arith.muli %arg0, %mul3A_213 : i32
    %ge3A_215 = arith.cmpi sge, %mul3A_214, %add3A_212 : i32
    %jit3A_216 = arith.constant 6 : i32
    %select_n3A_217 = arith.select %ge3A_215, %jit3A_216, %select_n3A_180 : i32
    %get3A_218 = arith.constant 0 : index
    %get3A_219 = arith.constant 6 : index
    %get3A_220 = memref.load %arg1[%get3A_218, %get3A_219] : memref<8x8xi32, #tpu.memory_space<smem>>
    %add3A_221 = arith.constant 127 : i32
    %add3A_222 = arith.addi %get3A_220, %add3A_221 : i32
    %jit3A_223 = arith.constant 128 : i32
    %div3A_224 = arith.divsi %add3A_222, %jit3A_223 : i32
    %sign3A_225 = arith.constant 0 : i32
    %sign3A_226 = arith.cmpi sgt, %add3A_222, %sign3A_225 : i32
    %sign3A_227 = arith.extui %sign3A_226 : i1 to i32
    %sign3A_228 = arith.constant 0 : i32
    %sign3A_229 = arith.cmpi slt, %add3A_222, %sign3A_228 : i32
    %sign3A_230 = arith.extui %sign3A_229 : i1 to i32
    %sign3A_231 = arith.subi %sign3A_227, %sign3A_230 : i32
    %sign3A_232 = arith.constant 0 : i32
    %sign3A_233 = arith.cmpi sgt, %jit3A_223, %sign3A_232 : i32
    %sign3A_234 = arith.extui %sign3A_233 : i1 to i32
    %sign3A_235 = arith.constant 0 : i32
    %sign3A_236 = arith.cmpi slt, %jit3A_223, %sign3A_235 : i32
    %sign3A_237 = arith.extui %sign3A_236 : i1 to i32
    %sign3A_238 = arith.subi %sign3A_234, %sign3A_237 : i32
    %ne3A_239 = arith.cmpi ne, %sign3A_231, %sign3A_238 : i32
    %rem3A_240 = arith.remsi %add3A_222, %jit3A_223 : i32
    %ne3A_241 = arith.constant 0 : i32
    %ne3A_242 = arith.cmpi ne, %rem3A_240, %ne3A_241 : i32
    %and3A_243 = arith.andi %ne3A_239, %ne3A_242 : i1
    %sub3A_244 = arith.constant 1 : i32
    %sub3A_245 = arith.subi %div3A_224, %sub3A_244 : i32
    %select_n3A_246 = arith.select %and3A_243, %sub3A_245, %div3A_224 : i32
    %mul3A_247 = arith.constant 128 : i32
    %mul3A_248 = arith.muli %select_n3A_246, %mul3A_247 : i32
    %add3A_249 = arith.addi %add3A_212, %mul3A_248 : i32
    %mul3A_250 = arith.constant 128 : i32
    %mul3A_251 = arith.muli %arg0, %mul3A_250 : i32
    %ge3A_252 = arith.cmpi sge, %mul3A_251, %add3A_249 : i32
    %jit3A_253 = arith.constant 7 : i32
    %select_n3A_254 = arith.select %ge3A_252, %jit3A_253, %select_n3A_217 : i32
    %get3A_255 = arith.constant 0 : index
    %get3A_256 = arith.constant 7 : index
    %get3A_257 = memref.load %arg1[%get3A_255, %get3A_256] : memref<8x8xi32, #tpu.memory_space<smem>>
    %add3A_258 = arith.constant 127 : i32
    %add3A_259 = arith.addi %get3A_257, %add3A_258 : i32
    %jit3A_260 = arith.constant 128 : i32
    %div3A_261 = arith.divsi %add3A_259, %jit3A_260 : i32
    %sign3A_262 = arith.constant 0 : i32
    %sign3A_263 = arith.cmpi sgt, %add3A_259, %sign3A_262 : i32
    %sign3A_264 = arith.extui %sign3A_263 : i1 to i32
    %sign3A_265 = arith.constant 0 : i32
    %sign3A_266 = arith.cmpi slt, %add3A_259, %sign3A_265 : i32
    %sign3A_267 = arith.extui %sign3A_266 : i1 to i32
    %sign3A_268 = arith.subi %sign3A_264, %sign3A_267 : i32
    %sign3A_269 = arith.constant 0 : i32
    %sign3A_270 = arith.cmpi sgt, %jit3A_260, %sign3A_269 : i32
    %sign3A_271 = arith.extui %sign3A_270 : i1 to i32
    %sign3A_272 = arith.constant 0 : i32
    %sign3A_273 = arith.cmpi slt, %jit3A_260, %sign3A_272 : i32
    %sign3A_274 = arith.extui %sign3A_273 : i1 to i32
    %sign3A_275 = arith.subi %sign3A_271, %sign3A_274 : i32
    %ne3A_276 = arith.cmpi ne, %sign3A_268, %sign3A_275 : i32
    %rem3A_277 = arith.remsi %add3A_259, %jit3A_260 : i32
    %ne3A_278 = arith.constant 0 : i32
    %ne3A_279 = arith.cmpi ne, %rem3A_277, %ne3A_278 : i32
    %and3A_280 = arith.andi %ne3A_276, %ne3A_279 : i1
    %sub3A_281 = arith.constant 1 : i32
    %sub3A_282 = arith.subi %div3A_261, %sub3A_281 : i32
    %select_n3A_283 = arith.select %and3A_280, %sub3A_282, %div3A_261 : i32
    %mul3A_284 = arith.constant 128 : i32
    %mul3A_285 = arith.muli %select_n3A_283, %mul3A_284 : i32
    %add3A_286 = arith.addi %add3A_249, %mul3A_285 : i32
    %c0_i32 = arith.constant 0 : i32
    %c0_i32_287 = arith.constant 0 : i32
    %c0_i32_288 = arith.constant 0 : i32
    return %select_n3A_254, %c0_i32, %c0_i32_287 : i32, i32, i32
  }
  func.func @transform_2(%arg0: i32, %arg1: memref<8x8xi32, #tpu.memory_space<smem>>) -> (i32, i32) {
    %c0_i32 = arith.constant 0 : i32
    %c0_i32_0 = arith.constant 0 : i32
    %c0_i32_1 = arith.constant 0 : i32
    return %c0_i32, %c0_i32_0 : i32, i32
  }
  func.func @transform_3(%arg0: i32, %arg1: memref<8x8xi32, #tpu.memory_space<smem>>) -> (i32, i32) {
    %c0_i32 = arith.constant 0 : i32
    %c0_i32_0 = arith.constant 0 : i32
    return %arg0, %c0_i32 : i32, i32
  }
}

module attributes {stable_mosaic.version = 14 : i64} {
  func.func @_gating_body(%arg0: i32, %arg1: memref<512x1024xf32, #tpu.memory_space<vmem>>, %arg2: memref<1024x8xf32, #tpu.memory_space<vmem>>, %arg3: memref<8xf32, #tpu.memory_space<vmem>>, %arg4: memref<2048xi32, #tpu.memory_space<vmem>>, %arg5: memref<8x8xi32, #tpu.memory_space<vmem>>, %arg6: memref<1x8xf32, #tpu.memory_space<vmem>>, %arg7: memref<2048x8xi32, #tpu.memory_space<vmem>>, %arg8: memref<2048x8xi32, #tpu.memory_space<vmem>>) attributes {dimension_semantics = [#tpu.dimension_semantics<arbitrary>], iteration_bounds = array<i64: 5>, scalar_prefetch = 0 : i64, scratch_operands = 3 : i64, tpu.core_type = #tpu.core_type<tc>, window_params = [{transform_indices = @transform_0, window_bounds = array<i64: 512, 1024>}, {pipeline_mode = #tpu.pipeline_mode<synchronous>, transform_indices = @transform_1, window_bounds = array<i64: 1024, 8>}, {pipeline_mode = #tpu.pipeline_mode<synchronous>, transform_indices = @transform_2, window_bounds = array<i64: 8>}, {pipeline_mode = #tpu.pipeline_mode<synchronous>, transform_indices = @transform_3, window_bounds = array<i64: 2048>}, {pipeline_mode = #tpu.pipeline_mode<synchronous>, transform_indices = @transform_4, window_bounds = array<i64: 8, 8>}]} {
    %eq3A = arith.constant 0 : i32
    %eq3A_0 = arith.cmpi eq, %arg0, %eq3A : i32
    %convert_element_type3A = arith.extui %eq3A_0 : i1 to i32
    %cond3A = arith.constant 0 : i32
    %cond3A_1 = arith.cmpi ne, %convert_element_type3A, %cond3A : i32
    scf.if %cond3A_1 {
      %broadcast_in_dim3A = arith.constant 0.000000e+00 : f32
      %broadcast_in_dim3A_11 = vector.broadcast %broadcast_in_dim3A : f32 to vector<1x8xf32>
      %swap3A = arith.constant 0 : index
      %swap3A_12 = arith.constant 0 : index
      %swap3A_13 = vector.load %arg6[%swap3A, %swap3A_12] : memref<1x8xf32, #tpu.memory_space<vmem>>, vector<1x8xf32>
      tpu.vector_store %arg6[%swap3A, %swap3A_12], %broadcast_in_dim3A_11 {strides = array<i32>} : memref<1x8xf32, #tpu.memory_space<vmem>>, vector<1x8xf32>,
    } else {
    }
    %lt3A = arith.constant 4 : i32
    %lt3A_2 = arith.cmpi slt, %arg0, %lt3A : i32
    %convert_element_type3A_3 = arith.extui %lt3A_2 : i1 to i32
    %cond3A_4 = arith.constant 0 : i32
    %cond3A_5 = arith.cmpi ne, %convert_element_type3A_3, %cond3A_4 : i32
    scf.if %cond3A_5 {
      %get3A = arith.constant 0 : index
      %get3A_11 = arith.constant 0 : index
      %get3A_12 = vector.load %arg1[%get3A, %get3A_11] : memref<512x1024xf32, #tpu.memory_space<vmem>>, vector<512x1024xf32>
      %get3A_13 = arith.constant 0 : index
      %get3A_14 = arith.constant 0 : index
      %get3A_15 = vector.load %arg2[%get3A_13, %get3A_14] : memref<1024x8xf32, #tpu.memory_space<vmem>>, vector<1024x8xf32>
      %dot_general3A = arith.constant dense<0.000000e+00> : vector<512x8xf32>
      %dot_general3A_16 = tpu.matmul %get3A_12, %get3A_15, %dot_general3A {dimension_numbers = #tpu.dot_dimension_numbers<[1], [0], [0], [1], [0, 0, 1, 1], [], []>, transpose_lhs_hint = false} : vector<512x1024xf32>, vector<1024x8xf32>, vector<512x8xf32> -> vector<512x8xf32>
      %get3A_17 = arith.constant 0 : index
      %get3A_18 = vector.load %arg3[%get3A_17] : memref<8xf32, #tpu.memory_space<vmem>>, vector<8xf32>
      %reshape3A = vector.shape_cast %get3A_18 : vector<8xf32> to vector<1x8xf32>
      %add3A = vector.broadcast %reshape3A : vector<1x8xf32> to vector<512x8xf32>
      %add3A_19 = arith.addf %dot_general3A_16, %add3A : vector<512x8xf32>
      %iota3A = tpu.iota {dimensions = array<i32: 1>} : vector<512x8xi32>
      %reduce_max3A = arith.constant dense<0xFF800000> : vector<512xf32>
      %reduce_max3A_20 = vector.multi_reduction <maximumf>, %add3A_19, %reduce_max3A [1] : vector<512x8xf32> to vector<512xf32>
      %broadcast_in_dim3A = vector.shape_cast %reduce_max3A_20 : vector<512xf32> to vector<512x1xf32>
      %eq3A_21 = vector.broadcast %broadcast_in_dim3A : vector<512x1xf32> to vector<512x8xf32>
      %eq3A_22 = arith.cmpf oeq, %add3A_19, %eq3A_21 : vector<512x8xf32>
      %jit3A = arith.constant 8 : i32
      %broadcast_in_dim3A_23 = vector.broadcast %jit3A : i32 to vector<512x8xi32>
      %select_n3A = arith.select %eq3A_22, %iota3A, %broadcast_in_dim3A_23 : vector<512x8xi1>, vector<512x8xi32>
      %reduce_min3A = arith.constant dense<2147483647> : vector<512xi32>
      %reduce_min3A_24 = vector.multi_reduction <minsi>, %select_n3A, %reduce_min3A [1] : vector<512x8xi32> to vector<512xi32>
      %broadcast_in_dim3A_25 = vector.shape_cast %reduce_min3A_24 : vector<512xi32> to vector<512x1xi32>
      %eq3A_26 = vector.broadcast %broadcast_in_dim3A_25 : vector<512x1xi32> to vector<512x8xi32>
      %eq3A_27 = arith.cmpi eq, %iota3A, %eq3A_26 : vector<512x8xi32>
      %convert_element_type3A_28 = arith.extui %eq3A_27 : vector<512x8xi1> to vector<512x8xi32>
      %convert_element_type3A_29 = arith.sitofp %convert_element_type3A_28 : vector<512x8xi32> to vector<512x8xf32>
      %iota3A_30 = tpu.iota {dimensions = array<i32: 0>} : vector<512x512xi32>
      %iota3A_31 = tpu.iota {dimensions = array<i32: 1>} : vector<512x512xi32>
      %lt3A_32 = arith.cmpi slt, %iota3A_31, %iota3A_30 : vector<512x512xi32>
      %convert_element_type3A_33 = arith.extui %lt3A_32 : vector<512x512xi1> to vector<512x512xi32>
      %convert_element_type3A_34 = arith.sitofp %convert_element_type3A_33 : vector<512x512xi32> to vector<512x512xf32>
      %convert_element_type3A_35 = arith.truncf %convert_element_type3A_34 : vector<512x512xf32> to vector<512x512xbf16>
      %convert_element_type3A_36 = arith.truncf %convert_element_type3A_29 : vector<512x8xf32> to vector<512x8xbf16>
      %dot_general3A_37 = arith.constant dense<0.000000e+00> : vector<512x8xf32>
      %dot_general3A_38 = tpu.matmul %convert_element_type3A_35, %convert_element_type3A_36, %dot_general3A_37 {dimension_numbers = #tpu.dot_dimension_numbers<[1], [0], [0], [1], [0, 0, 1, 1], [], []>, transpose_lhs_hint = false} : vector<512x512xbf16>, vector<512x8xbf16>, vector<512x8xf32> -> vector<512x8xf32>
      %get3A_39 = arith.constant 0 : index
      %get3A_40 = arith.constant 0 : index
      %get3A_41 = vector.load %arg6[%get3A_39, %get3A_40] : memref<1x8xf32, #tpu.memory_space<vmem>>, vector<1x8xf32>
      %add3A_42 = vector.broadcast %get3A_41 : vector<1x8xf32> to vector<512x8xf32>
      %add3A_43 = arith.addf %dot_general3A_38, %add3A_42 : vector<512x8xf32>
      %mul3A = arith.mulf %add3A_43, %convert_element_type3A_29 : vector<512x8xf32>
      %reduce_sum3A = arith.constant dense<0.000000e+00> : vector<512xf32>
      %reduce_sum3A_44 = vector.multi_reduction <add>, %mul3A, %reduce_sum3A [1] : vector<512x8xf32> to vector<512xf32>
      %broadcast_in_dim3A_45 = vector.shape_cast %reduce_sum3A_44 : vector<512xf32> to vector<512x1xf32>
      %get3A_46 = arith.constant 0 : index
      %get3A_47 = arith.constant 0 : index
      %get3A_48 = vector.load %arg6[%get3A_46, %get3A_47] : memref<1x8xf32, #tpu.memory_space<vmem>>, vector<1x8xf32>
      %reduce_sum3A_49 = arith.constant dense<0.000000e+00> : vector<8xf32>
      %reduce_sum3A_50 = vector.multi_reduction <add>, %convert_element_type3A_29, %reduce_sum3A_49 [0] : vector<512x8xf32> to vector<8xf32>
      %broadcast_in_dim3A_51 = vector.shape_cast %reduce_sum3A_50 : vector<8xf32> to vector<1x8xf32>
      %add3A_52 = arith.addf %get3A_48, %broadcast_in_dim3A_51 : vector<1x8xf32>
      %swap3A = arith.constant 0 : index
      %swap3A_53 = arith.constant 0 : index
      %swap3A_54 = vector.load %arg6[%swap3A, %swap3A_53] : memref<1x8xf32, #tpu.memory_space<vmem>>, vector<1x8xf32>
      tpu.vector_store %arg6[%swap3A, %swap3A_53], %add3A_52 {strides = array<i32>} : memref<1x8xf32, #tpu.memory_space<vmem>>, vector<1x8xf32>,
      %min3A = arith.constant 3 : i32
      %min3A_55 = arith.minsi %arg0, %min3A : i32
      %broadcast_in_dim3A_56 = vector.shape_cast %broadcast_in_dim3A_25 : vector<512x1xi32> to vector<512x1xi32>
      %broadcast_in_dim3A_57 = vector.broadcast %broadcast_in_dim3A_56 : vector<512x1xi32> to vector<512x8xi32>
      %mul3A_58 = arith.constant 512 : i32
      %mul3A_59 = arith.muli %min3A_55, %mul3A_58 : i32
      %swap3A_60 = arith.index_cast %mul3A_59 : i32 to index
      %swap3A_61 = arith.constant 0 : index
      %swap3A_62 = vector.load %arg7[%swap3A_60, %swap3A_61] : memref<2048x8xi32, #tpu.memory_space<vmem>>, vector<512x8xi32>
      tpu.vector_store %arg7[%swap3A_60, %swap3A_61], %broadcast_in_dim3A_57 {strides = array<i32>} : memref<2048x8xi32, #tpu.memory_space<vmem>>, vector<512x8xi32>,
      %convert_element_type3A_63 = arith.fptosi %broadcast_in_dim3A_45 : vector<512x1xf32> to vector<512x1xi32>
      %broadcast_in_dim3A_64 = vector.shape_cast %convert_element_type3A_63 : vector<512x1xi32> to vector<512x1xi32>
      %broadcast_in_dim3A_65 = vector.broadcast %broadcast_in_dim3A_64 : vector<512x1xi32> to vector<512x8xi32>
      %mul3A_66 = arith.constant 512 : i32
      %mul3A_67 = arith.muli %min3A_55, %mul3A_66 : i32
      %swap3A_68 = arith.index_cast %mul3A_67 : i32 to index
      %swap3A_69 = arith.constant 0 : index
      %swap3A_70 = vector.load %arg8[%swap3A_68, %swap3A_69] : memref<2048x8xi32, #tpu.memory_space<vmem>>, vector<512x8xi32>
      tpu.vector_store %arg8[%swap3A_68, %swap3A_69], %broadcast_in_dim3A_65 {strides = array<i32>} : memref<2048x8xi32, #tpu.memory_space<vmem>>, vector<512x8xi32>,
    } else {
    }
    %eq3A_6 = arith.constant 4 : i32
    %eq3A_7 = arith.cmpi eq, %arg0, %eq3A_6 : i32
    %convert_element_type3A_8 = arith.extui %eq3A_7 : i1 to i32
    %cond3A_9 = arith.constant 0 : i32
    %cond3A_10 = arith.cmpi ne, %convert_element_type3A_8, %cond3A_9 : i32
    scf.if %cond3A_10 {
      %get3A = arith.constant 0 : index
      %get3A_11 = arith.constant 0 : index
      %get3A_12 = vector.load %arg6[%get3A, %get3A_11] : memref<1x8xf32, #tpu.memory_space<vmem>>, vector<1x8xf32>
      %add3A = arith.constant 1.270000e+02 : f32
      %add3A_13 = vector.broadcast %add3A : f32 to vector<1x8xf32>
      %add3A_14 = arith.addf %get3A_12, %add3A_13 : vector<1x8xf32>
      %div3A = arith.constant 1.280000e+02 : f32
      %div3A_15 = vector.broadcast %div3A : f32 to vector<1x8xf32>
      %div3A_16 = arith.divf %add3A_14, %div3A_15 : vector<1x8xf32>
      %floor3A = math.floor %div3A_16 : vector<1x8xf32>
      %mul3A = arith.constant 1.280000e+02 : f32
      %mul3A_17 = vector.broadcast %mul3A : f32 to vector<1x8xf32>
      %mul3A_18 = arith.mulf %floor3A, %mul3A_17 : vector<1x8xf32>
      %iota3A = tpu.iota {dimensions = array<i32: 0>} : vector<8x8xi32>
      %iota3A_19 = tpu.iota {dimensions = array<i32: 1>} : vector<8x8xi32>
      %lt3A_20 = arith.cmpi slt, %iota3A, %iota3A_19 : vector<8x8xi32>
      %convert_element_type3A_21 = arith.extui %lt3A_20 : vector<8x8xi1> to vector<8x8xi32>
      %convert_element_type3A_22 = arith.sitofp %convert_element_type3A_21 : vector<8x8xi32> to vector<8x8xf32>
      %dot_general3A = arith.constant dense<0.000000e+00> : vector<1x8xf32>
      %dot_general3A_23 = tpu.matmul %mul3A_18, %convert_element_type3A_22, %dot_general3A {dimension_numbers = #tpu.dot_dimension_numbers<[1], [0], [0], [1], [0, 0, 1, 1], [], []>, transpose_lhs_hint = false} : vector<1x8xf32>, vector<8x8xf32>, vector<1x8xf32> -> vector<1x8xf32>
      %get3A_24 = arith.constant 0 : index
      %get3A_25 = arith.constant 0 : index
      %get3A_26 = vector.load %arg7[%get3A_24, %get3A_25] : memref<2048x8xi32, #tpu.memory_space<vmem>>, vector<2048x8xi32>
      %iota3A_27 = tpu.iota {dimensions = array<i32: 1>} : vector<2048x8xi32>
      %eq3A_28 = arith.cmpi eq, %iota3A_27, %get3A_26 : vector<2048x8xi32>
      %jit3A = arith.constant 0.000000e+00 : f32
      %broadcast_in_dim3A = vector.shape_cast %dot_general3A_23 : vector<1x8xf32> to vector<1x8xf32>
      %broadcast_in_dim3A_29 = vector.broadcast %broadcast_in_dim3A : vector<1x8xf32> to vector<2048x8xf32>
      %broadcast_in_dim3A_30 = vector.broadcast %jit3A : f32 to vector<2048x8xf32>
      %select_n3A = arith.select %eq3A_28, %broadcast_in_dim3A_29, %broadcast_in_dim3A_30 : vector<2048x8xi1>, vector<2048x8xf32>
      %reduce_sum3A = arith.constant dense<0.000000e+00> : vector<2048xf32>
      %reduce_sum3A_31 = vector.multi_reduction <add>, %select_n3A, %reduce_sum3A [1] : vector<2048x8xf32> to vector<2048xf32>
      %broadcast_in_dim3A_32 = vector.shape_cast %reduce_sum3A_31 : vector<2048xf32> to vector<2048x1xf32>
      %convert_element_type3A_33 = arith.fptosi %broadcast_in_dim3A_32 : vector<2048x1xf32> to vector<2048x1xi32>
      %get3A_34 = arith.constant 0 : index
      %get3A_35 = arith.constant 0 : index
      %get3A_36 = vector.load %arg8[%get3A_34, %get3A_35] : memref<2048x8xi32, #tpu.memory_space<vmem>>, vector<2048x1xi32>
      %add3A_37 = arith.addi %convert_element_type3A_33, %get3A_36 : vector<2048x1xi32>
      %transpose3A = tpu.transpose %add3A_37, [1, 0] : vector<2048x1xi32> -> vector<1x2048xi32>
      %reshape3A = vector.shape_cast %transpose3A : vector<1x2048xi32> to vector<2048xi32>
      %swap3A = arith.constant 0 : index
      %swap3A_38 = vector.load %arg4[%swap3A] : memref<2048xi32, #tpu.memory_space<vmem>>, vector<2048xi32>
      tpu.vector_store %arg4[%swap3A], %reshape3A {strides = array<i32>} : memref<2048xi32, #tpu.memory_space<vmem>>, vector<2048xi32>,
      %convert_element_type3A_39 = arith.fptosi %get3A_12 : vector<1x8xf32> to vector<1x8xi32>
      %broadcast_in_dim3A_40 = vector.shape_cast %convert_element_type3A_39 : vector<1x8xi32> to vector<1x8xi32>
      %broadcast_in_dim3A_41 = vector.broadcast %broadcast_in_dim3A_40 : vector<1x8xi32> to vector<8x8xi32>
      %swap3A_42 = arith.constant 0 : index
      %swap3A_43 = arith.constant 0 : index
      %swap3A_44 = vector.load %arg5[%swap3A_42, %swap3A_43] : memref<8x8xi32, #tpu.memory_space<vmem>>, vector<8x8xi32>
      tpu.vector_store %arg5[%swap3A_42, %swap3A_43], %broadcast_in_dim3A_41 {strides = array<i32>} : memref<8x8xi32, #tpu.memory_space<vmem>>, vector<8x8xi32>,
    } else {
    }
    return
  }
  func.func @transform_0(%arg0: i32) -> (i32, i32) {
    %min3A = arith.constant 3 : i32
    %min3A_0 = arith.minsi %arg0, %min3A : i32
    %c0_i32 = arith.constant 0 : i32
    %c0_i32_1 = arith.constant 0 : i32
    return %min3A_0, %c0_i32 : i32, i32
  }
  func.func @transform_1(%arg0: i32) -> (i32, i32) {
    %c0_i32 = arith.constant 0 : i32
    %c0_i32_0 = arith.constant 0 : i32
    %c0_i32_1 = arith.constant 0 : i32
    return %c0_i32, %c0_i32_0 : i32, i32
  }
  func.func @transform_2(%arg0: i32) -> i32 {
    %c0_i32 = arith.constant 0 : i32
    %c0_i32_0 = arith.constant 0 : i32
    return %c0_i32 : i32
  }
  func.func @transform_3(%arg0: i32) -> i32 {
    %c0_i32 = arith.constant 0 : i32
    %c0_i32_0 = arith.constant 0 : i32
    return %c0_i32 : i32
  }
  func.func @transform_4(%arg0: i32) -> (i32, i32) {
    %c0_i32 = arith.constant 0 : i32
    %c0_i32_0 = arith.constant 0 : i32
    %c0_i32_1 = arith.constant 0 : i32
    return %c0_i32, %c0_i32_0 : i32, i32
  }
}

</mosaic_0001>

<sc_bundles>
// kernel: kernel.6.cloned.1.call-start
scs
__scs_entry_jumppad:
0x0: {  	(pc) =	sbr.rel $0x88, $3  }
0x1: {  	(tag) =	ssettag $0x0;
	lr =	simm.s32 $0x1  }
0x2: {  	[smem:$0x3F9C] =	sst lr;
	_ =	strace $0xD0000000  }
0x3: {  	_ = 	snop  }
0x4: {  	_ = 	snop  }
0x5: {  	_ = 	snop  }
0x6: {  	_ = 	snop  }
0x7: {  	_ = 	snop  }
__scs_overlays_trampoline_lowered:
0x8: {  	[smem:$0x3FAB] =	sst s0  }
0x9: {  	[smem:$0x3FAC] =	sst s1  }
0xa: {  	[smem:$0x3FAD] =	sst s2  }
0xb: {  	[smem:$0x3FAE] =	sst s3  }
0xc: {  	[smem:$0x3FAF] =	sst s4  }
0xd: {  	[smem:$0x3FB0] =	sst s5  }
0xe: {  	[smem:$0x3FB1] =	sst s6  }
0xf: {  	[smem:$0x3FB2] =	sst s7  }
0x10: {  	[smem:$0x3FB3] =	sst s8  }
0x11: {  	[smem:$0x3FB4] =	sst s9;
	s0 =	simm.s32 @!p0 $0x0  }
0x12: {  	s1 =	sld [smem:$0x3F9A];
	s0 =	simm.s32 @p0 $0x1  }
0x13: {  	[smem:$0x3FB5] =	sst s0;
	s0 =	simm.s32 @!p1 $0x0  }
0x14: {  	s2 =	sld [smem:$0x3F99];
	s0 =	simm.s32 @p1 $0x1  }
0x15: {  	[smem:$0x3FB6] =	sst s0;
	s0 =	simm.s32 @!p2 $0x0  }
0x16: {  	s3 =	sld [smem:$0x3FDB];
	s0 =	simm.s32 @p2 $0x1  }
0x17: {  	s4 =	simm.s32 $0x1BF5;
	[smem:$0x3FB8] =	sst s0  }
0x18: {  	s0 =	sld [smem:$0x3F9B];
	_ =	swait.ge [sflag:s4], $0x0  }
0x19: {  	s7 =	sld [smem:$0x3F9C]  }
0x1a: {  	s8 =	sadd.s32 $0xFFFFE003, lr  }
0x1b: {  	s9 =	sadd.s32 $0xFFFFFEF7, lr;
	s5 =	simm.s32 $0xFFFFFFFF;
	p2 =	slt.u32 s8, $0xFFFFF086  }
0x1c: {  	p1 =	slt.u32 s9, $0xF7A;
	s5 =	simm.s32 @!p2 $0x0  }
0x1d: {  	s5 =	simm.s32 @p1 $0x1;
	p0 =	seq.s32 s7, s2  }
0x1e: {  	s7 =	smul.u32 @!p0 $0xF7A, s2;
	p2 =	seq.s32 @!p0 s5, $0x0  }
0x1f: {  	s9 =	smul.u32 $0xF7A, s1;
	s8 =	simm.s32 @!p0 $0x1BF5;
	p2 =	por !p2, p0  }
0x20: {  	[sflag:s8] =	ssyncset.s32 @!p0 $0xFFFFF086;
	s6 =	sadd.s32 @!p0 s3, s7;
	s7 =	simm.s32 @!p0 $0x108  }
0x21: {  	s3 =	sadd.s32 s3, s9;
	s6 =	sadd.s32 @!p0 $0x88, s6;
	s7 =	simm.s32 @p2 $0x1082  }
0x22: {  	[simem:s7], [sflag:s8] =	dma.local @!p0 [hbm:s6], $0xF7A  }
0x23: {  	s9 =	sor.u32 $0xD0000000, s2;
	s6 =	simm.s32 $0x108;
	_ =	swait.ge @!p0 [sflag:s8], $0x0  }
0x24: {  	s3 =	sadd.s32 $0x88, s3;
	s6 =	simm.s32 @!p1 $0x1082;
	[sflag:s4] =	ssyncset.s32 $0xFFFFF086  }
0x25: {  	[simem:s6], [sflag:s4] =	dma.local [hbm:s3], $0xF7A  }
0x26: {  	[smem:$0x3F9C] =	sst s1;
	(tag) =	ssettag s2;
	_ =	strace s9  }
0x27: {  	s1 =	sld [smem:$0x3FAC]  }
0x28: {  	s2 =	sld [smem:$0x3FAD]  }
0x29: {  	s4 =	sld [smem:$0x3FAF]  }
0x2a: {  	p0 =	seq.s32 s5, $0x0;
	s5 =	sld [smem:$0x3FB0]  }
0x2b: {  	s6 =	sld [smem:$0x3FB1]  }
0x2c: {  	s7 =	sld [smem:$0x3FB2]  }
0x2d: {  	s3 =	simm.s32 $0x108;
	s8 =	sld [smem:$0x3FB3]  }
0x2e: {  	s3 =	simm.s32 @!p0 $0x1082;
	s9 =	sld [smem:$0x3FB4]  }
0x2f: {  	lr =	sadd.s32 s0, s3;
	s0 =	sld [smem:$0x3FAB]  }
0x30: {  	s3 =	sld [smem:$0x3FAE]  }
0x31: {  	[smem:$0x3FB7] =	sst s10  }
0x32: {  	s10 =	sld [smem:$0x3FB5];
	_ =	sdelay $0x3  }
0x33: {  	p0 =	seq.s32 s10, $0x1;
	s10 =	sld [smem:$0x3FB7];
	_ =	sdelay $0x3  }
0x34: {  	[smem:$0x3FB7] =	sst s10  }
0x35: {  	s10 =	sld [smem:$0x3FB6];
	_ =	sdelay $0x3  }
0x36: {  	p1 =	seq.s32 s10, $0x1;
	s10 =	sld [smem:$0x3FB7];
	_ =	sdelay $0x3  }
0x37: {  	[smem:$0x3FB7] =	sst s10  }
0x38: {  	s10 =	sld [smem:$0x3FB8]  }
0x39: {  	_ = 	snop;
	(pc) =	sbr.ind lr, $3  }
0x3a: {  	_ = 	snop  }
0x3b: {  	_ = 	snop  }
0x3c: {  	p2 =	seq.s32 s10, $0x1;
	s10 =	sld [smem:$0x3FB7]  }
0x3d: {  	_ =	shalt  }
0x3e: {  	_ =	shalt  }
0x3f: {  	_ =	shalt  }
0x40: {  	_ =	shalt  }
0x41: {  	_ =	shalt  }
0x42: {  	_ =	shalt  }
0x43: {  	_ =	shalt  }
0x44: {  	_ =	shalt  }
0x45: {  	_ =	shalt  }
0x46: {  	_ =	shalt  }
0x47: {  	_ =	shalt  }
0x48: {  	_ =	shalt  }
0x49: {  	_ =	shalt  }
0x4a: {  	_ =	shalt  }
0x4b: {  	_ =	shalt  }
0x4c: {  	_ =	shalt  }
0x4d: {  	_ =	shalt  }
0x4e: {  	_ =	shalt  }
0x4f: {  	_ =	shalt  }
0x50: {  	_ =	shalt  }
0x51: {  	_ =	shalt  }
0x52: {  	_ =	shalt  }
0x53: {  	_ =	shalt  }
0x54: {  	_ =	shalt  }
0x55: {  	_ =	shalt  }
0x56: {  	_ =	shalt  }
0x57: {  	_ =	shalt  }
0x58: {  	_ =	shalt  }
0x59: {  	_ =	shalt  }
0x5a: {  	_ =	shalt  }
0x5b: {  	_ =	shalt  }
0x5c: {  	_ =	shalt  }
0x5d: {  	_ =	shalt  }
0x5e: {  	_ =	shalt  }
0x5f: {  	_ =	shalt  }
0x60: {  	_ =	shalt  }
0x61: {  	_ =	shalt  }
0x62: {  	_ =	shalt  }
0x63: {  	_ =	shalt  }
0x64: {  	_ =	shalt  }
0x65: {  	_ =	shalt  }
0x66: {  	_ =	shalt  }
0x67: {  	_ =	shalt  }
0x68: {  	_ =	shalt  }
0x69: {  	_ =	shalt  }
0x6a: {  	_ =	shalt  }
0x6b: {  	_ =	shalt  }
0x6c: {  	_ =	shalt  }
0x6d: {  	_ =	shalt  }
0x6e: {  	_ =	shalt  }
0x6f: {  	_ =	shalt  }
0x70: {  	_ =	shalt  }
0x71: {  	_ =	shalt  }
0x72: {  	_ =	shalt  }
0x73: {  	_ =	shalt  }
0x74: {  	_ =	shalt  }
0x75: {  	_ =	shalt  }
0x76: {  	_ =	shalt  }
0x77: {  	_ =	shalt  }
0x78: {  	_ =	shalt  }
0x79: {  	_ =	shalt  }
0x7a: {  	_ =	shalt  }
0x7b: {  	_ =	shalt  }
0x7c: {  	_ =	shalt  }
0x7d: {  	_ =	shalt  }
0x7e: {  	_ =	shalt  }
0x7f: {  	_ =	shalt  }
0x80: {  	_ =	shalt  }
0x81: {  	_ =	shalt  }
0x82: {  	_ =	shalt  }
0x83: {  	_ =	shalt  }
0x84: {  	_ =	shalt  }
0x85: {  	_ =	shalt  }
0x86: {  	_ =	shalt  }
0x87: {  	_ =	shalt  }
.Lfunc_end0:
.L_simem_size_0:
called_computation_lowered:
.L_overlay_start_0:
0x88: {  	s2 =	sld [smem:$0x3FD9]  }
0x89: {  	s3 =	sld [smem:$0x3FFE];
	_ =	sdelay $0x1  }
0x8a: {  	s1 =	srdreg.scid  }
0x8b: {  	s0 =	sand.u32 $0x1, s1  }
0x8c: {  	s17 =	sshll.u32 s0, $0xA;
	s2 =	sadd.s32 s3, s2  }
0x8d: {  	s2 =	sadd.s32 s2, s17  }
0x8e: {  	[smem:$0x3FC3] =	sst s2  }
0x8f: {  	_ = 	snop  }
0x90: {  	s2 =	sld [smem:$0x3FC9];
	(tm) =	ssettm $0x1  }
0x91: {  	s18 =	sld [smem:$0x3FFB];
	_ =	sdelay $0x3  }
0x92: {  	_ =	strace s18  }
0x93: {  	s3 =	sld [smem:$0x3FFC];
	_ =	sdelay $0x3  }
0x94: {  	_ =	strace s3  }
0x95: {  	s3 =	sld [smem:$0x3FFD];
	_ =	sdelay $0x3  }
0x96: {  	_ =	strace s3  }
0x97: {  	_ =	strace $0x8FFFFFFF  }
0x98: {  	s19 =	sld [smem:$0x3FDB];
	_ =	sdelay $0x1  }
0x99: {  	s4 =	simm.s32 $_scs_section_size  }
0x9a: {  	s5 =	simm.s32 $_size__tile_overlayer_lowered;
	s6 =	simm.s32 $_tile_overlayer_lowered  }
0x9b: {  	s22 =	simm.s32 $0x1BFF;
	s21 =	sshll.u32 s6, $0x1;
	s3 =	sadd.s32 s4, s19  }
0x9c: {  	s7 =	simm.s32 $0x0;
	s20 =	sshll.u32 s5, $0x1;
	s5 =	sadd.s32 s21, s3  }
0x9d: {  	[timem:s7], [sflag:s22] =	dma.local [hbm:s5], s20  }
0x9e: {  	_ =	swait.ge [sflag:s22], s20  }
0x9f: {  	s4 =	ssub.s32 $0x0, s20;
	[sflag:s22] =	ssyncset.done $0x0  }
0xa0: {  	[sflag:s22] =	ssyncadd.s32 s4;
	_ =	sdelay $0x1  }
0xa1: {  	s23 =	simm.s32 $0x1B8B  }
0xa2: {  	_ =	swait.ge [sflag:s23], $0x1  }
0xa3: {  	[sflag:s23] =	ssyncset.done $0x0  }
0xa4: {  	s25 =	simm.s32 $0x1B8E;
	s24 =	sld [smem:$0x3FFE];
	[sflag:s23] =	ssyncadd.s32 $0xFFFFFFFF  }
0xa5: {  	s26 =	simm.s32 $execute0_lowered;
	[smem:$0x3FD2] =	sst s25  }
0xa6: {  	s5 =	sshll.u32 s26, $0x1;
	_ =	strace $0x80000046;
	[dreg:$0x1] =	wrdreg $0xFFFFFFFF  }
0xa7: {  	s28 =	simm.s32 $_size_execute0_lowered;
	s3 =	sadd.s32 s3, s5;
	[dreg:$0x0] =	wrdreg $0x0  }
0xa8: {  	s5 =	sshll.u32 s28, $0x1;
	[dreg:$0x2] =	wrdreg s3  }
0xa9: {  	[dreg:$0x3] =	wrdreg s5  }
0xaa: {  	[dreg:$0x4] =	wrdreg $0xC0  }
0xab: {  	_ =	task [dreg:s7], $0x5FFFF  }
0xac: {  	[dreg:$0x1] =	wrdreg $0xFFFFFFFF  }
0xad: {  	[dreg:$0x0] =	wrdreg $0x60  }
0xae: {  	[dreg:$0x2] =	wrdreg s2  }
0xaf: {  	[dreg:$0x3] =	wrdreg s24  }
0xb0: {  	[dreg:$0x4] =	wrdreg $0x9  }
0xb1: {  	_ =	task.clear_ibuf [dreg:s7], $0x5FFFF;
	_ =	strace $0x90000046  }
0xb2: {  	s29 =	simm.s32 $0x9;
	_ =	strace $0x80000048  }
0xb3: {  	_ =	swait.ge [sflag:s29], $0x1  }
0xb4: {  	[sflag:s29] =	ssyncadd.s32 $0xFFFFFFFF  }
0xb5: {  	_ =	strace $0x90000048  }
0xb6: {  	_ =	sfence  }
0xb7: {  	s30 =	sld [smem:$0x0];
	_ =	sdelay $0x2  }
0xb8: {  	s31 =	sshll.u32 s1, $0xD;
	s1 =	sshrl.u32 s1, $0x2  }
0xb9: {  	s3 =	sand.u32 $0x4000, s31;
	s1 =	sadd.s32 s1, s30  }
0xba: {  	s0 =	sor.u32 s3, s0;
	s1 =	sshll.u32 s1, $0x11  }
0xbb: {  	s0 =	sor.u32 s1, s0  }
0xbc: {  	s0 =	sadd.s32 $0x8F2B, s0  }
0xbd: {  	[sflag:s0] =	ssyncadd.remote.s32 $0x1  }
0xbe: {  	_ =	sfence.sel $0xFFFF  }
0xbf: {  	[dreg:$0x0] =	wrdreg $0xFFFFFFFF;
	(pc) =	sbr.abs _section_cstart, $3  }
0xc0: {  	[dreg:$0x1] =	wrdreg $0xFFFFFFFF  }
0xc1: {  	_ =	task.clear_ibuf [dreg:s7], $0x2FFFF;
	_ =	strace $0x9FFFFFFF  }
0xc2: {  	(tm) =	ssettm $0x7FFFFFFF  }
0xc3: {  	_ =	shalt  }
tec
execute0_lowered:
.L_overlay_start_1:
0x0: {  	(tag) =	ssettag $0x1  }
0x1: {  	s1 =	srdreg.scid;
	s3 =	rddreg [dreg:$0x0]  }
0x2: {  	s0 =	stileid.u32;
	s6 =	rddreg [dreg:$0x1]  }
0x3: {  	s19 =	simm.s32 $0x880;
	s20 =	simm.s32 $0x1080;
	s22 =	simm.s32 $0x1880  }
0x4: {  	s23 =	simm.s32 $0x2080;
	s7 =	simm.s32 $0x2880;
	s24 =	simm.s32 $0x3080  }
0x5: {  	s8 =	simm.s32 $0x3880;
	s25 =	simm.s32 $0x4080;
	s26 =	simm.s32 $0x4880  }
0x6: {  	s9 =	simm.s32 $0x80;
	s11 =	simm.s32 $0x5880;
	s12 =	simm.s32 $0x6080  }
0x7: {  	s13 =	simm.s32 $0x6880;
	s14 =	simm.s32 $0x7080;
	s1 =	sand.u32 $0x1, s1  }
0x8: {  	s15 =	simm.s32 $0x7880;
	s2 =	sshll.u32 s0, $0x7;
	s4 =	sshll.u32 s1, $0x6  }
0x9: {  	s16 =	simm.s32 $0x8080;
	s4 =	sor.u32 s4, s2;
	s2 =	simm.s32 $0x0  }
0xa: {  	s17 =	simm.s32 $0x8880;
	s18 =	simm.s32 $0x9080;
	[smem:$0x7FF] =	sst s2  }
0xb: {  	s28 =	simm.s32 $0xD880;
	_ =	strace $0x80000047;
	[dreg:$0x5] =	wrdreg s19  }
0xc: {  	s29 =	simm.s32 $0xE080;
	s30 =	simm.s32 $0xE880;
	[dreg:$0x6] =	wrdreg s20  }
0xd: {  	s31 =	simm.s32 $0xF080;
	s1 =	ssub.s32 $0x2, s1;
	[dreg:$0x7] =	wrdreg s22  }
0xe: {  	s21 =	sshrl.u32 s1, $0x1;
	s5 =	sshrl.u32 s4, $0x3;
	[dreg:$0x8] =	wrdreg s23  }
0xf: {  	s4 =	sshll.u32 s4, $0x7;
	s1 =	ssub.s32 s1, s21;
	[dreg:$0x9] =	wrdreg s7  }
0x10: {  	s21 =	simm.s32 $0xA880;
	s5 =	sadd.s32 s5, s6;
	[dreg:$0xa] =	wrdreg s24  }
0x11: {  	s4 =	sadd.s32 s3, s4;
	s3 =	sadd.s32 $0xE00, s6;
	[dreg:$0xb] =	wrdreg s8  }
0x12: {  	s7 =	smax.u32 s1, $0x1;
	s8 =	simm.s32 $0x1;
	[dreg:$0xc] =	wrdreg s25  }
0x13: {  	[dreg:$0xd] =	wrdreg s26;
	s19 =	simm.s32 $0x9880;
	s20 =	simm.s32 $0xA080  }
0x14: {  	s22 =	simm.s32 $0xB080;
	s23 =	simm.s32 $0xB880;
	s24 =	simm.s32 $0xC080  }
0x15: {  	v2 =	vlaneseq.u32;
	s25 =	simm.s32 $0xC880;
	s26 =	simm.s32 $0xD080;
	s1 =	simm.s32 $0xF880  }
0x16: {  	vm0 =	vmmov $0xffff;
	v1 =	vshrl.u32 v2, $0x3;
	s5 =	sadd.s32 $0xC00, s5;
	[dreg:$0x4] =	wrdreg s4;
	s4 =	sadd.s32 $0xF00, s6  }
0x17: {  	v0 =	vand.u32 $0x7, v2;
	v2 =	vor.u32 $0x8, v2;
	v1 =	vmul.u32 $0x8, v1;
	[dreg:$0x3] =	wrdreg s5;
	s5 =	sadd.s32 $0x1000, s6;
	s6 =	sadd.s32 $0x1100, s6  }
.LBB2_1:
0x18: {  	s0 =	rddreg [dreg:$0x3]  }
0x19: {  	[tilespmem:s2], [sflag:$0x1] =	stream.linear.gather [hbm4b:s0+s2], $0x40, $0x38;
	[tilespmem:$0x10080] =	vst v63  }
0x1a: {  	_ =	swait.ge [sflag:s8], $0x40  }
0x1b: {  	[sflag:s8] =	ssyncset.done $0x0  }
0x1c: {  	s10 =	rddreg [dreg:$0x4];
	[sflag:s8] =	ssyncadd.s32 $0xFFFFFFC0  }
0x1d: {  	[tilespmem:s9], [sflag:$0x1] =	stream.linear.gather [hbm4b:s10+s2], $0x10000, $0x38;
	[tilespmem:$0x10080] =	vst v63  }
0x1e: {  	_ =	swait.ge [sflag:s8], $0x10000  }
0x1f: {  	[sflag:s8] =	ssyncset.done $0x0  }
0x20: {  	[sflag:s8] =	ssyncadd.s32 $0xFFFF0000  }
0x21: {  	v3 =	vld [tilespmem:$0x0];
	_ =	sdelay $0x4  }
0x22: {  	v4 =	vshll.u32 v3, $0x3  }
0x23: {  	v3 =	vand.u32 $0x7, v3;
	v4 =	vand.u32 $0xFFFFFFC0, v4  }
0x24: {  	v3 =	vor.u32 v3, v4  }
0x25: {  	v4 =	vperm.xlane v3, v0;
	_ =	sdelay $0x1  }
0x26: {  	v4 =	vadd.s32 v1, v4;
	_ =	sdelay $0x4  }
0x27: {  	[hbm4b:s3+s2] =	stream.indirect_vreg.scatter [tilespmem:s9], [sflag:$0x1], $0x80, v4, vm0, $0xb8;
	[tilespmem:$0x10080] =	vst v63  }
0x28: {  	s0 =	rddreg [dreg:$0x5];
	v3 =	vperm.xlane v3, v2  }
0x29: {  	[hbm4b:s4+s2] =	stream.indirect_vreg.scatter [tilespmem:s0], [sflag:$0x1], $0x80, v4, vm0, $0xb8;
	[tilespmem:$0x10080] =	vst v63  }
0x2a: {  	s10 =	rddreg [dreg:$0x6];
	v3 =	vadd.s32 v1, v3  }
0x2b: {  	[hbm4b:s5+s2] =	stream.indirect_vreg.scatter [tilespmem:s10], [sflag:$0x1], $0x80, v4, vm0, $0xb8;
	[tilespmem:$0x10080] =	vst v63  }
0x2c: {  	s0 =	rddreg [dreg:$0x7]  }
0x2d: {  	[hbm4b:s6+s2] =	stream.indirect_vreg.scatter [tilespmem:s0], [sflag:$0x1], $0x80, v4, vm0, $0xb8;
	[tilespmem:$0x10080] =	vst v63  }
0x2e: {  	s10 =	rddreg [dreg:$0x8]  }
0x2f: {  	[hbm4b:s3+s2] =	stream.indirect_vreg.scatter [tilespmem:s10], [sflag:$0x1], $0x80, v3, vm0, $0xb8;
	[tilespmem:$0x10080] =	vst v63  }
0x30: {  	s0 =	rddreg [dreg:$0x9]  }
0x31: {  	[hbm4b:s4+s2] =	stream.indirect_vreg.scatter [tilespmem:s0], [sflag:$0x1], $0x80, v3, vm0, $0xb8;
	[tilespmem:$0x10080] =	vst v63  }
0x32: {  	s10 =	rddreg [dreg:$0xa]  }
0x33: {  	[hbm4b:s5+s2] =	stream.indirect_vreg.scatter [tilespmem:s10], [sflag:$0x1], $0x80, v3, vm0, $0xb8;
	[tilespmem:$0x10080] =	vst v63  }
0x34: {  	s0 =	rddreg [dreg:$0xb]  }
0x35: {  	[hbm4b:s6+s2] =	stream.indirect_vreg.scatter [tilespmem:s0], [sflag:$0x1], $0x80, v3, vm0, $0xb8;
	[tilespmem:$0x10080] =	vst v63  }
0x36: {  	v3 =	vld [tilespmem:$0x10];
	_ =	sdelay $0x4  }
0x37: {  	v61 =	vshll.u32 v3, $0x3  }
0x38: {  	v3 =	vand.u32 $0x7, v3;
	v4 =	vand.u32 $0xFFFFFFC0, v61  }
0x39: {  	v3 =	vor.u32 v3, v4  }
0x3a: {  	v4 =	vperm.xlane v3, v0;
	_ =	sdelay $0x1  }
0x3b: {  	v4 =	vadd.s32 v1, v4;
	_ =	sdelay $0x3  }
0x3c: {  	s0 =	rddreg [dreg:$0xc]  }
0x3d: {  	[hbm4b:s3+s2] =	stream.indirect_vreg.scatter [tilespmem:s0], [sflag:$0x1], $0x80, v4, vm0, $0xb8;
	[tilespmem:$0x10080] =	vst v63  }
0x3e: {  	s10 =	rddreg [dreg:$0xd];
	v3 =	vperm.xlane v3, v2  }
0x3f: {  	[hbm4b:s4+s2] =	stream.indirect_vreg.scatter [tilespmem:s10], [sflag:$0x1], $0x80, v4, vm0, $0xb8;
	[tilespmem:$0x10080] =	vst v63  }
0x40: {  	v3 =	vadd.s32 v1, v3;
	s10 =	simm.s32 $0x5080  }
0x41: {  	[hbm4b:s5+s2] =	stream.indirect_vreg.scatter [tilespmem:s10], [sflag:$0x1], $0x80, v4, vm0, $0xb8;
	[tilespmem:$0x10080] =	vst v63  }
0x42: {  	_ = 	snop  }
0x43: {  	[hbm4b:s6+s2] =	stream.indirect_vreg.scatter [tilespmem:s11], [sflag:$0x1], $0x80, v4, vm0, $0xb8;
	[tilespmem:$0x10080] =	vst v63  }
0x44: {  	_ = 	snop  }
0x45: {  	[hbm4b:s3+s2] =	stream.indirect_vreg.scatter [tilespmem:s12], [sflag:$0x1], $0x80, v3, vm0, $0xb8;
	[tilespmem:$0x10080] =	vst v63  }
0x46: {  	_ = 	snop  }
0x47: {  	[hbm4b:s4+s2] =	stream.indirect_vreg.scatter [tilespmem:s13], [sflag:$0x1], $0x80, v3, vm0, $0xb8;
	[tilespmem:$0x10080] =	vst v63  }
0x48: {  	_ = 	snop  }
0x49: {  	[hbm4b:s5+s2] =	stream.indirect_vreg.scatter [tilespmem:s14], [sflag:$0x1], $0x80, v3, vm0, $0xb8;
	[tilespmem:$0x10080] =	vst v63  }
0x4a: {  	_ = 	snop  }
0x4b: {  	[hbm4b:s6+s2] =	stream.indirect_vreg.scatter [tilespmem:s15], [sflag:$0x1], $0x80, v3, vm0, $0xb8;
	[tilespmem:$0x10080] =	vst v63  }
0x4c: {  	v3 =	vld [tilespmem:$0x20];
	_ =	sdelay $0x4  }
0x4d: {  	v62 =	vshll.u32 v3, $0x3  }
0x4e: {  	v3 =	vand.u32 $0x7, v3;
	v4 =	vand.u32 $0xFFFFFFC0, v62  }
0x4f: {  	v3 =	vor.u32 v3, v4  }
0x50: {  	v4 =	vperm.xlane v3, v0;
	_ =	sdelay $0x1  }
0x51: {  	v4 =	vadd.s32 v1, v4;
	_ =	sdelay $0x4  }
0x52: {  	[hbm4b:s3+s2] =	stream.indirect_vreg.scatter [tilespmem:s16], [sflag:$0x1], $0x80, v4, vm0, $0xb8;
	[tilespmem:$0x10080] =	vst v63  }
0x53: {  	v3 =	vperm.xlane v3, v2  }
0x54: {  	[hbm4b:s4+s2] =	stream.indirect_vreg.scatter [tilespmem:s17], [sflag:$0x1], $0x80, v4, vm0, $0xb8;
	[tilespmem:$0x10080] =	vst v63  }
0x55: {  	v3 =	vadd.s32 v1, v3  }
0x56: {  	[hbm4b:s5+s2] =	stream.indirect_vreg.scatter [tilespmem:s18], [sflag:$0x1], $0x80, v4, vm0, $0xb8;
	[tilespmem:$0x10080] =	vst v63  }
0x57: {  	_ = 	snop  }
0x58: {  	[hbm4b:s6+s2] =	stream.indirect_vreg.scatter [tilespmem:s19], [sflag:$0x1], $0x80, v4, vm0, $0xb8;
	[tilespmem:$0x10080] =	vst v63  }
0x59: {  	_ = 	snop  }
0x5a: {  	[hbm4b:s3+s2] =	stream.indirect_vreg.scatter [tilespmem:s20], [sflag:$0x1], $0x80, v3, vm0, $0xb8;
	[tilespmem:$0x10080] =	vst v63  }
0x5b: {  	_ = 	snop  }
0x5c: {  	[hbm4b:s4+s2] =	stream.indirect_vreg.scatter [tilespmem:s21], [sflag:$0x1], $0x80, v3, vm0, $0xb8;
	[tilespmem:$0x10080] =	vst v63  }
0x5d: {  	_ = 	snop  }
0x5e: {  	[hbm4b:s5+s2] =	stream.indirect_vreg.scatter [tilespmem:s22], [sflag:$0x1], $0x80, v3, vm0, $0xb8;
	[tilespmem:$0x10080] =	vst v63  }
0x5f: {  	_ = 	snop  }
0x60: {  	[hbm4b:s6+s2] =	stream.indirect_vreg.scatter [tilespmem:s23], [sflag:$0x1], $0x80, v3, vm0, $0xb8;
	[tilespmem:$0x10080] =	vst v63  }
0x61: {  	v3 =	vld [tilespmem:$0x30];
	_ =	sdelay $0x4  }
0x62: {  	v63 =	vshll.u32 v3, $0x3  }
0x63: {  	v3 =	vand.u32 $0x7, v3;
	v4 =	vand.u32 $0xFFFFFFC0, v63  }
0x64: {  	v3 =	vor.u32 v3, v4  }
0x65: {  	v4 =	vperm.xlane v3, v0;
	_ =	sdelay $0x1  }
0x66: {  	v4 =	vadd.s32 v1, v4;
	_ =	sdelay $0x4  }
0x67: {  	[hbm4b:s3+s2] =	stream.indirect_vreg.scatter [tilespmem:s24], [sflag:$0x1], $0x80, v4, vm0, $0xb8;
	[tilespmem:$0x10080] =	vst v63  }
0x68: {  	v3 =	vperm.xlane v3, v2  }
0x69: {  	[hbm4b:s4+s2] =	stream.indirect_vreg.scatter [tilespmem:s25], [sflag:$0x1], $0x80, v4, vm0, $0xb8;
	[tilespmem:$0x10080] =	vst v63  }
0x6a: {  	v3 =	vadd.s32 v1, v3  }
0x6b: {  	[hbm4b:s5+s2] =	stream.indirect_vreg.scatter [tilespmem:s26], [sflag:$0x1], $0x80, v4, vm0, $0xb8;
	[tilespmem:$0x10080] =	vst v63  }
0x6c: {  	_ = 	snop  }
0x6d: {  	[hbm4b:s6+s2] =	stream.indirect_vreg.scatter [tilespmem:s28], [sflag:$0x1], $0x80, v4, vm0, $0xb8;
	[tilespmem:$0x10080] =	vst v63  }
0x6e: {  	_ = 	snop  }
0x6f: {  	[hbm4b:s3+s2] =	stream.indirect_vreg.scatter [tilespmem:s29], [sflag:$0x1], $0x80, v3, vm0, $0xb8;
	[tilespmem:$0x10080] =	vst v63  }
0x70: {  	_ = 	snop  }
0x71: {  	[hbm4b:s4+s2] =	stream.indirect_vreg.scatter [tilespmem:s30], [sflag:$0x1], $0x80, v3, vm0, $0xb8;
	[tilespmem:$0x10080] =	vst v63  }
0x72: {  	p0 =	sne.s32 s7, $0x1  }
0x73: {  	[hbm4b:s5+s2] =	stream.indirect_vreg.scatter [tilespmem:s31], [sflag:$0x1], $0x80, v3, vm0, $0xb8;
	[tilespmem:$0x10080] =	vst v63  }
.Ltmp0:
0x74: {  	_ = 	snop;
	(pc) =	sbr.rel @p0 .LBB2_1-.Ltmp0, $4  }
0x75: {  	[hbm4b:s6+s2] =	stream.indirect_vreg.scatter [tilespmem:s1], [sflag:$0x1], $0x80, v3, vm0, $0xb8;
	[tilespmem:$0x10080] =	vst v63  }
0x76: {  	_ =	swait.ge [sflag:s8], $0x10000  }
0x77: {  	[sflag:s8] =	ssyncset.done $0x0  }
0x78: {  	s7 =	sadd.s32 $0xFFFFFFFF, s7;
	[sflag:s8] =	ssyncadd.s32 $0xFFFF0000  }
0x79: {  	_ =	sfence.sel $0x180000  }
0x7a: {  	[bflag:$0x0] =	sbarrier.arrive $0xFFFF  }
0x7b: {  	_ =	strace $0x90000047  }
0x7c: {  	s0 =	stileid.u32;
	[bflag:$0x2] =	sbarrier.arrive $0xFFFF  }
0x7d: {  	p0 =	sne.s32 s0, $0x0;
	s0 =	rddreg [dreg:$0x2]  }
0x7e: {  	s0 =	sadd.s32 @!p0 $0x100000, s0  }
0x7f: {  	[sflag:s0] =	ssyncadd.tile.s32 @!p0 $0x1;
	_ =	shalt  }
.Lfunc_end2:
_tile_overlayer_lowered:
.L_overlay_start_2:
0x80: {  	(tag) =	ssettag $0x2  }
0x81: {  	s0 =	rddreg [dreg:$0x0];
	s2 =	stileid.u32  }
0x82: {  	s1 =	rddreg [dreg:$0x1];
	p0 =	sne.s32 s2, $0x0  }
0x83: {  	s3 =	rddreg [dreg:$0x2];
	[bflag:$0x3] =	sbarrier.arrive $0xFFFF;
	s2 =	simm.s32 @!p0 $0x1C01  }
0x84: {  	[timem:s3], [sflag:s2] =	dma.local @!p0 [hbm:s0], s1  }
0x85: {  	s0 =	simm.s32 @!p0 $0x1  }
0x86: {  	_ =	swait.ge @!p0 [sflag:s0], s1  }
0x87: {  	s1 =	ssub.s32 @!p0 $0x0, s1;
	[sflag:s0] =	ssyncset.done @!p0 $0x0  }
0x88: {  	[sflag:s0] =	ssyncadd.s32 @!p0 s1  }
0x89: {  	[bflag:$0x3] =	sbarrier.arrive $0xFFFF  }
0x8a: {  	_ =	shalt  }

// kernel: kernel.9.cloned.1.call-start
scs
__scs_entry_jumppad:
0x0: {  	(pc) =	sbr.rel $0x88, $3  }
0x1: {  	(tag) =	ssettag $0x0;
	lr =	simm.s32 $0x1  }
0x2: {  	[smem:$0x3F9C] =	sst lr;
	_ =	strace $0xD0000000  }
0x3: {  	_ = 	snop  }
0x4: {  	_ = 	snop  }
0x5: {  	_ = 	snop  }
0x6: {  	_ = 	snop  }
0x7: {  	_ = 	snop  }
__scs_overlays_trampoline_lowered:
0x8: {  	[smem:$0x3FAB] =	sst s0  }
0x9: {  	[smem:$0x3FAC] =	sst s1  }
0xa: {  	[smem:$0x3FAD] =	sst s2  }
0xb: {  	[smem:$0x3FAE] =	sst s3  }
0xc: {  	[smem:$0x3FAF] =	sst s4  }
0xd: {  	[smem:$0x3FB0] =	sst s5  }
0xe: {  	[smem:$0x3FB1] =	sst s6  }
0xf: {  	[smem:$0x3FB2] =	sst s7  }
0x10: {  	[smem:$0x3FB3] =	sst s8  }
0x11: {  	[smem:$0x3FB4] =	sst s9;
	s0 =	simm.s32 @!p0 $0x0  }
0x12: {  	s1 =	sld [smem:$0x3F9A];
	s0 =	simm.s32 @p0 $0x1  }
0x13: {  	[smem:$0x3FB5] =	sst s0;
	s0 =	simm.s32 @!p1 $0x0  }
0x14: {  	s2 =	sld [smem:$0x3F99];
	s0 =	simm.s32 @p1 $0x1  }
0x15: {  	[smem:$0x3FB6] =	sst s0;
	s0 =	simm.s32 @!p2 $0x0  }
0x16: {  	s3 =	sld [smem:$0x3FDB];
	s0 =	simm.s32 @p2 $0x1  }
0x17: {  	s4 =	simm.s32 $0x1BF5;
	[smem:$0x3FB8] =	sst s0  }
0x18: {  	s0 =	sld [smem:$0x3F9B];
	_ =	swait.ge [sflag:s4], $0x0  }
0x19: {  	s7 =	sld [smem:$0x3F9C]  }
0x1a: {  	s8 =	sadd.s32 $0xFFFFE003, lr  }
0x1b: {  	s9 =	sadd.s32 $0xFFFFFEF7, lr;
	s5 =	simm.s32 $0xFFFFFFFF;
	p2 =	slt.u32 s8, $0xFFFFF086  }
0x1c: {  	p1 =	slt.u32 s9, $0xF7A;
	s5 =	simm.s32 @!p2 $0x0  }
0x1d: {  	s5 =	simm.s32 @p1 $0x1;
	p0 =	seq.s32 s7, s2  }
0x1e: {  	s7 =	smul.u32 @!p0 $0xF7A, s2;
	p2 =	seq.s32 @!p0 s5, $0x0  }
0x1f: {  	s9 =	smul.u32 $0xF7A, s1;
	s8 =	simm.s32 @!p0 $0x1BF5;
	p2 =	por !p2, p0  }
0x20: {  	[sflag:s8] =	ssyncset.s32 @!p0 $0xFFFFF086;
	s6 =	sadd.s32 @!p0 s3, s7;
	s7 =	simm.s32 @!p0 $0x108  }
0x21: {  	s3 =	sadd.s32 s3, s9;
	s6 =	sadd.s32 @!p0 $0x88, s6;
	s7 =	simm.s32 @p2 $0x1082  }
0x22: {  	[simem:s7], [sflag:s8] =	dma.local @!p0 [hbm:s6], $0xF7A  }
0x23: {  	s9 =	sor.u32 $0xD0000000, s2;
	s6 =	simm.s32 $0x108;
	_ =	swait.ge @!p0 [sflag:s8], $0x0  }
0x24: {  	s3 =	sadd.s32 $0x88, s3;
	s6 =	simm.s32 @!p1 $0x1082;
	[sflag:s4] =	ssyncset.s32 $0xFFFFF086  }
0x25: {  	[simem:s6], [sflag:s4] =	dma.local [hbm:s3], $0xF7A  }
0x26: {  	[smem:$0x3F9C] =	sst s1;
	(tag) =	ssettag s2;
	_ =	strace s9  }
0x27: {  	s1 =	sld [smem:$0x3FAC]  }
0x28: {  	s2 =	sld [smem:$0x3FAD]  }
0x29: {  	s4 =	sld [smem:$0x3FAF]  }
0x2a: {  	p0 =	seq.s32 s5, $0x0;
	s5 =	sld [smem:$0x3FB0]  }
0x2b: {  	s6 =	sld [smem:$0x3FB1]  }
0x2c: {  	s7 =	sld [smem:$0x3FB2]  }
0x2d: {  	s3 =	simm.s32 $0x108;
	s8 =	sld [smem:$0x3FB3]  }
0x2e: {  	s3 =	simm.s32 @!p0 $0x1082;
	s9 =	sld [smem:$0x3FB4]  }
0x2f: {  	lr =	sadd.s32 s0, s3;
	s0 =	sld [smem:$0x3FAB]  }
0x30: {  	s3 =	sld [smem:$0x3FAE]  }
0x31: {  	[smem:$0x3FB7] =	sst s10  }
0x32: {  	s10 =	sld [smem:$0x3FB5];
	_ =	sdelay $0x3  }
0x33: {  	p0 =	seq.s32 s10, $0x1;
	s10 =	sld [smem:$0x3FB7];
	_ =	sdelay $0x3  }
0x34: {  	[smem:$0x3FB7] =	sst s10  }
0x35: {  	s10 =	sld [smem:$0x3FB6];
	_ =	sdelay $0x3  }
0x36: {  	p1 =	seq.s32 s10, $0x1;
	s10 =	sld [smem:$0x3FB7];
	_ =	sdelay $0x3  }
0x37: {  	[smem:$0x3FB7] =	sst s10  }
0x38: {  	s10 =	sld [smem:$0x3FB8]  }
0x39: {  	_ = 	snop;
	(pc) =	sbr.ind lr, $3  }
0x3a: {  	_ = 	snop  }
0x3b: {  	_ = 	snop  }
0x3c: {  	p2 =	seq.s32 s10, $0x1;
	s10 =	sld [smem:$0x3FB7]  }
0x3d: {  	_ =	shalt  }
0x3e: {  	_ =	shalt  }
0x3f: {  	_ =	shalt  }
0x40: {  	_ =	shalt  }
0x41: {  	_ =	shalt  }
0x42: {  	_ =	shalt  }
0x43: {  	_ =	shalt  }
0x44: {  	_ =	shalt  }
0x45: {  	_ =	shalt  }
0x46: {  	_ =	shalt  }
0x47: {  	_ =	shalt  }
0x48: {  	_ =	shalt  }
0x49: {  	_ =	shalt  }
0x4a: {  	_ =	shalt  }
0x4b: {  	_ =	shalt  }
0x4c: {  	_ =	shalt  }
0x4d: {  	_ =	shalt  }
0x4e: {  	_ =	shalt  }
0x4f: {  	_ =	shalt  }
0x50: {  	_ =	shalt  }
0x51: {  	_ =	shalt  }
0x52: {  	_ =	shalt  }
0x53: {  	_ =	shalt  }
0x54: {  	_ =	shalt  }
0x55: {  	_ =	shalt  }
0x56: {  	_ =	shalt  }
0x57: {  	_ =	shalt  }
0x58: {  	_ =	shalt  }
0x59: {  	_ =	shalt  }
0x5a: {  	_ =	shalt  }
0x5b: {  	_ =	shalt  }
0x5c: {  	_ =	shalt  }
0x5d: {  	_ =	shalt  }
0x5e: {  	_ =	shalt  }
0x5f: {  	_ =	shalt  }
0x60: {  	_ =	shalt  }
0x61: {  	_ =	shalt  }
0x62: {  	_ =	shalt  }
0x63: {  	_ =	shalt  }
0x64: {  	_ =	shalt  }
0x65: {  	_ =	shalt  }
0x66: {  	_ =	shalt  }
0x67: {  	_ =	shalt  }
0x68: {  	_ =	shalt  }
0x69: {  	_ =	shalt  }
0x6a: {  	_ =	shalt  }
0x6b: {  	_ =	shalt  }
0x6c: {  	_ =	shalt  }
0x6d: {  	_ =	shalt  }
0x6e: {  	_ =	shalt  }
0x6f: {  	_ =	shalt  }
0x70: {  	_ =	shalt  }
0x71: {  	_ =	shalt  }
0x72: {  	_ =	shalt  }
0x73: {  	_ =	shalt  }
0x74: {  	_ =	shalt  }
0x75: {  	_ =	shalt  }
0x76: {  	_ =	shalt  }
0x77: {  	_ =	shalt  }
0x78: {  	_ =	shalt  }
0x79: {  	_ =	shalt  }
0x7a: {  	_ =	shalt  }
0x7b: {  	_ =	shalt  }
0x7c: {  	_ =	shalt  }
0x7d: {  	_ =	shalt  }
0x7e: {  	_ =	shalt  }
0x7f: {  	_ =	shalt  }
0x80: {  	_ =	shalt  }
0x81: {  	_ =	shalt  }
0x82: {  	_ =	shalt  }
0x83: {  	_ =	shalt  }
0x84: {  	_ =	shalt  }
0x85: {  	_ =	shalt  }
0x86: {  	_ =	shalt  }
0x87: {  	_ =	shalt  }
.Lfunc_end0:
.L_simem_size_0:
called_computation.1_lowered:
.L_overlay_start_0:
0x88: {  	s2 =	sld [smem:$0x3FD9]  }
0x89: {  	s3 =	sld [smem:$0x3FFE];
	_ =	sdelay $0x1  }
0x8a: {  	s1 =	srdreg.scid  }
0x8b: {  	s0 =	sand.u32 $0x1, s1  }
0x8c: {  	s17 =	sshll.u32 s0, $0xA;
	s2 =	sadd.s32 s3, s2  }
0x8d: {  	s2 =	sadd.s32 s2, s17  }
0x8e: {  	[smem:$0x3FC3] =	sst s2  }
0x8f: {  	_ = 	snop  }
0x90: {  	s2 =	sld [smem:$0x3FD0];
	(tm) =	ssettm $0x1  }
0x91: {  	s18 =	sld [smem:$0x3FFB];
	_ =	sdelay $0x3  }
0x92: {  	_ =	strace s18  }
0x93: {  	s3 =	sld [smem:$0x3FFC];
	_ =	sdelay $0x3  }
0x94: {  	_ =	strace s3  }
0x95: {  	s3 =	sld [smem:$0x3FFD];
	_ =	sdelay $0x3  }
0x96: {  	_ =	strace s3  }
0x97: {  	_ =	strace $0x8FFFFFFF  }
0x98: {  	s19 =	sld [smem:$0x3FDB];
	_ =	sdelay $0x1  }
0x99: {  	s4 =	simm.s32 $_scs_section_size  }
0x9a: {  	s5 =	simm.s32 $_size__tile_overlayer_lowered;
	s6 =	simm.s32 $_tile_overlayer_lowered  }
0x9b: {  	s22 =	simm.s32 $0x1BFF;
	s21 =	sshll.u32 s6, $0x1;
	s3 =	sadd.s32 s4, s19  }
0x9c: {  	s7 =	simm.s32 $0x0;
	s20 =	sshll.u32 s5, $0x1;
	s5 =	sadd.s32 s21, s3  }
0x9d: {  	[timem:s7], [sflag:s22] =	dma.local [hbm:s5], s20  }
0x9e: {  	_ =	swait.ge [sflag:s22], s20  }
0x9f: {  	s4 =	ssub.s32 $0x0, s20;
	[sflag:s22] =	ssyncset.done $0x0  }
0xa0: {  	[sflag:s22] =	ssyncadd.s32 s4;
	_ =	sdelay $0x1  }
0xa1: {  	s23 =	simm.s32 $0x1B8B  }
0xa2: {  	_ =	swait.ge [sflag:s23], $0x1  }
0xa3: {  	[sflag:s23] =	ssyncset.done $0x0  }
0xa4: {  	s25 =	simm.s32 $0x1B8E;
	s24 =	sld [smem:$0x3FFE];
	[sflag:s23] =	ssyncadd.s32 $0xFFFFFFFF  }
0xa5: {  	s26 =	simm.s32 $execute0_lowered;
	[smem:$0x3FD2] =	sst s25  }
0xa6: {  	s5 =	sshll.u32 s26, $0x1;
	_ =	strace $0x80000049;
	[dreg:$0x1] =	wrdreg $0xFFFFFFFF  }
0xa7: {  	s28 =	simm.s32 $_size_execute0_lowered;
	s3 =	sadd.s32 s3, s5;
	[dreg:$0x0] =	wrdreg $0x0  }
0xa8: {  	s5 =	sshll.u32 s28, $0x1;
	[dreg:$0x2] =	wrdreg s3  }
0xa9: {  	[dreg:$0x3] =	wrdreg s5  }
0xaa: {  	[dreg:$0x4] =	wrdreg $0xC0  }
0xab: {  	_ =	task [dreg:s7], $0x5FFFF  }
0xac: {  	[dreg:$0x1] =	wrdreg $0xFFFFFFFF  }
0xad: {  	[dreg:$0x0] =	wrdreg $0x60  }
0xae: {  	[dreg:$0x2] =	wrdreg s24  }
0xaf: {  	[dreg:$0x3] =	wrdreg s2  }
0xb0: {  	[dreg:$0x4] =	wrdreg $0x9  }
0xb1: {  	_ =	task.clear_ibuf [dreg:s7], $0x5FFFF;
	_ =	strace $0x90000049  }
0xb2: {  	s29 =	simm.s32 $0x9;
	_ =	strace $0x8000004B  }
0xb3: {  	_ =	swait.ge [sflag:s29], $0x1  }
0xb4: {  	[sflag:s29] =	ssyncadd.s32 $0xFFFFFFFF  }
0xb5: {  	_ =	strace $0x9000004B  }
0xb6: {  	_ =	sfence  }
0xb7: {  	s30 =	sld [smem:$0x0];
	_ =	sdelay $0x2  }
0xb8: {  	s31 =	sshll.u32 s1, $0xD;
	s1 =	sshrl.u32 s1, $0x2  }
0xb9: {  	s3 =	sand.u32 $0x4000, s31;
	s1 =	sadd.s32 s1, s30  }
0xba: {  	s0 =	sor.u32 s3, s0;
	s1 =	sshll.u32 s1, $0x11  }
0xbb: {  	s0 =	sor.u32 s1, s0  }
0xbc: {  	s0 =	sadd.s32 $0x8F2B, s0  }
0xbd: {  	[sflag:s0] =	ssyncadd.remote.s32 $0x1  }
0xbe: {  	_ =	sfence.sel $0xFFFF  }
0xbf: {  	[dreg:$0x0] =	wrdreg $0xFFFFFFFF;
	(pc) =	sbr.abs _section_cstart, $3  }
0xc0: {  	[dreg:$0x1] =	wrdreg $0xFFFFFFFF  }
0xc1: {  	_ =	task.clear_ibuf [dreg:s7], $0x2FFFF;
	_ =	strace $0x9FFFFFFF  }
0xc2: {  	(tm) =	ssettm $0x7FFFFFFF  }
0xc3: {  	_ =	shalt  }
tec
execute0_lowered:
.L_overlay_start_1:
0x0: {  	(tag) =	ssettag $0x1  }
0x1: {  	s1 =	srdreg.scid  }
0x2: {  	s0 =	stileid.u32;
	s6 =	rddreg [dreg:$0x0]  }
0x3: {  	s4 =	rddreg [dreg:$0x1];
	s18 =	simm.s32 $0x880;
	s19 =	simm.s32 $0x1080  }
0x4: {  	s20 =	simm.s32 $0x1880;
	s22 =	simm.s32 $0x2080;
	s23 =	simm.s32 $0x2880  }
0x5: {  	s7 =	simm.s32 $0x3080;
	s24 =	simm.s32 $0x3880;
	s8 =	simm.s32 $0x4080  }
0x6: {  	s25 =	simm.s32 $0x4880;
	s26 =	simm.s32 $0x5080;
	s1 =	sand.u32 $0x1, s1  }
0x7: {  	s9 =	simm.s32 $0x80;
	s2 =	sshll.u32 s0, $0x7;
	s3 =	sshll.u32 s1, $0x6  }
0x8: {  	s11 =	simm.s32 $0x6080;
	s3 =	sor.u32 s3, s2;
	s2 =	simm.s32 $0x0  }
0x9: {  	s12 =	simm.s32 $0x6880;
	s13 =	simm.s32 $0x7080;
	[smem:$0x7FF] =	sst s2  }
0xa: {  	s14 =	simm.s32 $0x7880;
	_ =	strace $0x8000004A;
	[dreg:$0x5] =	wrdreg s18  }
0xb: {  	s15 =	simm.s32 $0x8080;
	s16 =	simm.s32 $0x8880;
	[dreg:$0x6] =	wrdreg s19  }
0xc: {  	s17 =	simm.s32 $0x9080;
	s28 =	simm.s32 $0xE080;
	[dreg:$0x7] =	wrdreg s20  }
0xd: {  	s29 =	simm.s32 $0xE880;
	s30 =	simm.s32 $0xF080;
	[dreg:$0x8] =	wrdreg s22  }
0xe: {  	s31 =	simm.s32 $0xF880;
	s1 =	ssub.s32 $0x2, s1;
	[dreg:$0x9] =	wrdreg s23  }
0xf: {  	s21 =	sshrl.u32 s1, $0x1;
	s5 =	sshrl.u32 s3, $0x3;
	[dreg:$0xa] =	wrdreg s7  }
0x10: {  	s3 =	sshll.u32 s3, $0x7;
	s1 =	ssub.s32 s1, s21;
	[dreg:$0xb] =	wrdreg s24  }
0x11: {  	s21 =	simm.s32 $0xB080;
	s5 =	sadd.s32 s5, s6;
	[dreg:$0xc] =	wrdreg s8  }
0x12: {  	s3 =	sadd.s32 s4, s3;
	s4 =	sadd.s32 $0xF00, s6;
	[dreg:$0xd] =	wrdreg s25  }
0x13: {  	s7 =	smax.u32 s1, $0x1;
	s8 =	simm.s32 $0x2;
	[dreg:$0xe] =	wrdreg s26  }
0x14: {  	s18 =	simm.s32 $0x9880;
	s19 =	simm.s32 $0xA080;
	s20 =	simm.s32 $0xA880  }
0x15: {  	s22 =	simm.s32 $0xB880;
	s23 =	simm.s32 $0xC080;
	s24 =	simm.s32 $0xC880  }
0x16: {  	v2 =	vlaneseq.u32;
	s25 =	simm.s32 $0xD080;
	s26 =	simm.s32 $0xD880;
	s1 =	simm.s32 $0x1  }
0x17: {  	vm0 =	vmmov $0xffff;
	v1 =	vshrl.u32 v2, $0x3;
	s5 =	sadd.s32 $0xC00, s5;
	[dreg:$0x4] =	wrdreg s3;
	s3 =	sadd.s32 $0xE00, s6  }
0x18: {  	v0 =	vand.u32 $0x7, v2;
	v2 =	vor.u32 $0x8, v2;
	v1 =	vmul.u32 $0x8, v1;
	[dreg:$0x3] =	wrdreg s5;
	s5 =	sadd.s32 $0x1000, s6;
	s6 =	sadd.s32 $0x1100, s6  }
.LBB2_1:
0x19: {  	s0 =	rddreg [dreg:$0x3]  }
0x1a: {  	[tilespmem:s2], [sflag:$0x2] =	stream.linear.gather [hbm4b:s0+s2], $0x40, $0x38;
	[tilespmem:$0x10080] =	vst v63  }
0x1b: {  	_ =	swait.ge [sflag:s8], $0x40  }
0x1c: {  	[sflag:s8] =	ssyncset.done $0x0  }
0x1d: {  	[sflag:s8] =	ssyncadd.s32 $0xFFFFFFC0  }
0x1e: {  	v3 =	vld [tilespmem:$0x0];
	_ =	sdelay $0x4  }
0x1f: {  	v4 =	vshll.u32 v3, $0x3  }
0x20: {  	v3 =	vand.u32 $0x7, v3;
	v4 =	vand.u32 $0xFFFFFFC0, v4  }
0x21: {  	v3 =	vor.u32 v3, v4  }
0x22: {  	v4 =	vperm.xlane v3, v0;
	_ =	sdelay $0x1  }
0x23: {  	v4 =	vadd.s32 v1, v4;
	_ =	sdelay $0x4  }
0x24: {  	[tilespmem:s9], [sflag:$0x1] =	stream.indirect_vreg.gather [hbm4b:s3+s2], $0x80, v4, vm0, $0xb8;
	[tilespmem:$0x10080] =	vst v63  }
0x25: {  	s0 =	rddreg [dreg:$0x5];
	v3 =	vperm.xlane v3, v2  }
0x26: {  	[tilespmem:s0], [sflag:$0x1] =	stream.indirect_vreg.gather [hbm4b:s4+s2], $0x80, v4, vm0, $0xb8;
	[tilespmem:$0x10080] =	vst v63  }
0x27: {  	s10 =	rddreg [dreg:$0x6];
	v3 =	vadd.s32 v1, v3  }
0x28: {  	[tilespmem:s10], [sflag:$0x1] =	stream.indirect_vreg.gather [hbm4b:s5+s2], $0x80, v4, vm0, $0xb8;
	[tilespmem:$0x10080] =	vst v63  }
0x29: {  	s0 =	rddreg [dreg:$0x7]  }
0x2a: {  	[tilespmem:s0], [sflag:$0x1] =	stream.indirect_vreg.gather [hbm4b:s6+s2], $0x80, v4, vm0, $0xb8;
	[tilespmem:$0x10080] =	vst v63  }
0x2b: {  	s10 =	rddreg [dreg:$0x8]  }
0x2c: {  	[tilespmem:s10], [sflag:$0x1] =	stream.indirect_vreg.gather [hbm4b:s3+s2], $0x80, v3, vm0, $0xb8;
	[tilespmem:$0x10080] =	vst v63  }
0x2d: {  	s0 =	rddreg [dreg:$0x9]  }
0x2e: {  	[tilespmem:s0], [sflag:$0x1] =	stream.indirect_vreg.gather [hbm4b:s4+s2], $0x80, v3, vm0, $0xb8;
	[tilespmem:$0x10080] =	vst v63  }
0x2f: {  	s10 =	rddreg [dreg:$0xa]  }
0x30: {  	[tilespmem:s10], [sflag:$0x1] =	stream.indirect_vreg.gather [hbm4b:s5+s2], $0x80, v3, vm0, $0xb8;
	[tilespmem:$0x10080] =	vst v63  }
0x31: {  	s0 =	rddreg [dreg:$0xb]  }
0x32: {  	[tilespmem:s0], [sflag:$0x1] =	stream.indirect_vreg.gather [hbm4b:s6+s2], $0x80, v3, vm0, $0xb8;
	[tilespmem:$0x10080] =	vst v63  }
0x33: {  	v3 =	vld [tilespmem:$0x10];
	_ =	sdelay $0x4  }
0x34: {  	v61 =	vshll.u32 v3, $0x3  }
0x35: {  	v3 =	vand.u32 $0x7, v3;
	v4 =	vand.u32 $0xFFFFFFC0, v61  }
0x36: {  	v3 =	vor.u32 v3, v4  }
0x37: {  	v4 =	vperm.xlane v3, v0;
	_ =	sdelay $0x1  }
0x38: {  	v4 =	vadd.s32 v1, v4;
	_ =	sdelay $0x3  }
0x39: {  	s0 =	rddreg [dreg:$0xc]  }
0x3a: {  	[tilespmem:s0], [sflag:$0x1] =	stream.indirect_vreg.gather [hbm4b:s3+s2], $0x80, v4, vm0, $0xb8;
	[tilespmem:$0x10080] =	vst v63  }
0x3b: {  	s10 =	rddreg [dreg:$0xd];
	v3 =	vperm.xlane v3, v2  }
0x3c: {  	[tilespmem:s10], [sflag:$0x1] =	stream.indirect_vreg.gather [hbm4b:s4+s2], $0x80, v4, vm0, $0xb8;
	[tilespmem:$0x10080] =	vst v63  }
0x3d: {  	v3 =	vadd.s32 v1, v3;
	s0 =	rddreg [dreg:$0xe]  }
0x3e: {  	[tilespmem:s0], [sflag:$0x1] =	stream.indirect_vreg.gather [hbm4b:s5+s2], $0x80, v4, vm0, $0xb8;
	[tilespmem:$0x10080] =	vst v63  }
0x3f: {  	s10 =	simm.s32 $0x5880  }
0x40: {  	[tilespmem:s10], [sflag:$0x1] =	stream.indirect_vreg.gather [hbm4b:s6+s2], $0x80, v4, vm0, $0xb8;
	[tilespmem:$0x10080] =	vst v63  }
0x41: {  	_ = 	snop  }
0x42: {  	[tilespmem:s11], [sflag:$0x1] =	stream.indirect_vreg.gather [hbm4b:s3+s2], $0x80, v3, vm0, $0xb8;
	[tilespmem:$0x10080] =	vst v63  }
0x43: {  	_ = 	snop  }
0x44: {  	[tilespmem:s12], [sflag:$0x1] =	stream.indirect_vreg.gather [hbm4b:s4+s2], $0x80, v3, vm0, $0xb8;
	[tilespmem:$0x10080] =	vst v63  }
0x45: {  	_ = 	snop  }
0x46: {  	[tilespmem:s13], [sflag:$0x1] =	stream.indirect_vreg.gather [hbm4b:s5+s2], $0x80, v3, vm0, $0xb8;
	[tilespmem:$0x10080] =	vst v63  }
0x47: {  	_ = 	snop  }
0x48: {  	[tilespmem:s14], [sflag:$0x1] =	stream.indirect_vreg.gather [hbm4b:s6+s2], $0x80, v3, vm0, $0xb8;
	[tilespmem:$0x10080] =	vst v63  }
0x49: {  	v3 =	vld [tilespmem:$0x20];
	_ =	sdelay $0x4  }
0x4a: {  	v62 =	vshll.u32 v3, $0x3  }
0x4b: {  	v3 =	vand.u32 $0x7, v3;
	v4 =	vand.u32 $0xFFFFFFC0, v62  }
0x4c: {  	v3 =	vor.u32 v3, v4  }
0x4d: {  	v4 =	vperm.xlane v3, v0;
	_ =	sdelay $0x1  }
0x4e: {  	v4 =	vadd.s32 v1, v4;
	_ =	sdelay $0x4  }
0x4f: {  	[tilespmem:s15], [sflag:$0x1] =	stream.indirect_vreg.gather [hbm4b:s3+s2], $0x80, v4, vm0, $0xb8;
	[tilespmem:$0x10080] =	vst v63  }
0x50: {  	v3 =	vperm.xlane v3, v2  }
0x51: {  	[tilespmem:s16], [sflag:$0x1] =	stream.indirect_vreg.gather [hbm4b:s4+s2], $0x80, v4, vm0, $0xb8;
	[tilespmem:$0x10080] =	vst v63  }
0x52: {  	v3 =	vadd.s32 v1, v3  }
0x53: {  	[tilespmem:s17], [sflag:$0x1] =	stream.indirect_vreg.gather [hbm4b:s5+s2], $0x80, v4, vm0, $0xb8;
	[tilespmem:$0x10080] =	vst v63  }
0x54: {  	_ = 	snop  }
0x55: {  	[tilespmem:s18], [sflag:$0x1] =	stream.indirect_vreg.gather [hbm4b:s6+s2], $0x80, v4, vm0, $0xb8;
	[tilespmem:$0x10080] =	vst v63  }
0x56: {  	_ = 	snop  }
0x57: {  	[tilespmem:s19], [sflag:$0x1] =	stream.indirect_vreg.gather [hbm4b:s3+s2], $0x80, v3, vm0, $0xb8;
	[tilespmem:$0x10080] =	vst v63  }
0x58: {  	_ = 	snop  }
0x59: {  	[tilespmem:s20], [sflag:$0x1] =	stream.indirect_vreg.gather [hbm4b:s4+s2], $0x80, v3, vm0, $0xb8;
	[tilespmem:$0x10080] =	vst v63  }
0x5a: {  	_ = 	snop  }
0x5b: {  	[tilespmem:s21], [sflag:$0x1] =	stream.indirect_vreg.gather [hbm4b:s5+s2], $0x80, v3, vm0, $0xb8;
	[tilespmem:$0x10080] =	vst v63  }
0x5c: {  	_ = 	snop  }
0x5d: {  	[tilespmem:s22], [sflag:$0x1] =	stream.indirect_vreg.gather [hbm4b:s6+s2], $0x80, v3, vm0, $0xb8;
	[tilespmem:$0x10080] =	vst v63  }
0x5e: {  	v3 =	vld [tilespmem:$0x30];
	_ =	sdelay $0x4  }
0x5f: {  	v63 =	vshll.u32 v3, $0x3  }
0x60: {  	v3 =	vand.u32 $0x7, v3;
	v4 =	vand.u32 $0xFFFFFFC0, v63  }
0x61: {  	v3 =	vor.u32 v3, v4  }
0x62: {  	v4 =	vperm.xlane v3, v0;
	_ =	sdelay $0x1  }
0x63: {  	v4 =	vadd.s32 v1, v4;
	_ =	sdelay $0x4  }
0x64: {  	[tilespmem:s23], [sflag:$0x1] =	stream.indirect_vreg.gather [hbm4b:s3+s2], $0x80, v4, vm0, $0xb8;
	[tilespmem:$0x10080] =	vst v63  }
0x65: {  	v3 =	vperm.xlane v3, v2  }
0x66: {  	[tilespmem:s24], [sflag:$0x1] =	stream.indirect_vreg.gather [hbm4b:s4+s2], $0x80, v4, vm0, $0xb8;
	[tilespmem:$0x10080] =	vst v63  }
0x67: {  	v3 =	vadd.s32 v1, v3  }
0x68: {  	[tilespmem:s25], [sflag:$0x1] =	stream.indirect_vreg.gather [hbm4b:s5+s2], $0x80, v4, vm0, $0xb8;
	[tilespmem:$0x10080] =	vst v63  }
0x69: {  	_ = 	snop  }
0x6a: {  	[tilespmem:s26], [sflag:$0x1] =	stream.indirect_vreg.gather [hbm4b:s6+s2], $0x80, v4, vm0, $0xb8;
	[tilespmem:$0x10080] =	vst v63  }
0x6b: {  	_ = 	snop  }
0x6c: {  	[tilespmem:s28], [sflag:$0x1] =	stream.indirect_vreg.gather [hbm4b:s3+s2], $0x80, v3, vm0, $0xb8;
	[tilespmem:$0x10080] =	vst v63  }
0x6d: {  	_ = 	snop  }
0x6e: {  	[tilespmem:s29], [sflag:$0x1] =	stream.indirect_vreg.gather [hbm4b:s4+s2], $0x80, v3, vm0, $0xb8;
	[tilespmem:$0x10080] =	vst v63  }
0x6f: {  	_ = 	snop  }
0x70: {  	[tilespmem:s30], [sflag:$0x1] =	stream.indirect_vreg.gather [hbm4b:s5+s2], $0x80, v3, vm0, $0xb8;
	[tilespmem:$0x10080] =	vst v63  }
0x71: {  	_ = 	snop  }
0x72: {  	[tilespmem:s31], [sflag:$0x1] =	stream.indirect_vreg.gather [hbm4b:s6+s2], $0x80, v3, vm0, $0xb8;
	[tilespmem:$0x10080] =	vst v63  }
0x73: {  	_ =	swait.ge [sflag:s1], $0x10000  }
0x74: {  	p0 =	sne.s32 s7, $0x1;
	[sflag:s1] =	ssyncset.done $0x0  }
.Ltmp0:
0x75: {  	s10 =	rddreg [dreg:$0x4];
	[sflag:s1] =	ssyncadd.s32 $0xFFFF0000;
	(pc) =	sbr.rel @p0 .LBB2_1-.Ltmp0, $4  }
0x76: {  	[hbm4b:s10+s2] =	stream.linear.scatter [tilespmem:s9], [sflag:$0x2], $0x10000, $0x38;
	[tilespmem:$0x10080] =	vst v63  }
0x77: {  	_ =	swait.ge [sflag:s8], $0x10000  }
0x78: {  	[sflag:s8] =	ssyncset.done $0x0  }
0x79: {  	s7 =	sadd.s32 $0xFFFFFFFF, s7;
	[sflag:s8] =	ssyncadd.s32 $0xFFFF0000  }
0x7a: {  	_ =	sfence.sel $0x180000  }
0x7b: {  	[bflag:$0x0] =	sbarrier.arrive $0xFFFF  }
0x7c: {  	_ =	strace $0x9000004A  }
0x7d: {  	s0 =	stileid.u32;
	[bflag:$0x2] =	sbarrier.arrive $0xFFFF  }
0x7e: {  	p0 =	sne.s32 s0, $0x0;
	s0 =	rddreg [dreg:$0x2]  }
0x7f: {  	s0 =	sadd.s32 @!p0 $0x100000, s0  }
0x80: {  	[sflag:s0] =	ssyncadd.tile.s32 @!p0 $0x1;
	_ =	shalt  }
.Lfunc_end2:
_tile_overlayer_lowered:
.L_overlay_start_2:
0x81: {  	(tag) =	ssettag $0x2  }
0x82: {  	s0 =	rddreg [dreg:$0x0];
	s2 =	stileid.u32  }
0x83: {  	s1 =	rddreg [dreg:$0x1];
	p0 =	sne.s32 s2, $0x0  }
0x84: {  	s3 =	rddreg [dreg:$0x2];
	[bflag:$0x3] =	sbarrier.arrive $0xFFFF;
	s2 =	simm.s32 @!p0 $0x1C02  }
0x85: {  	[timem:s3], [sflag:s2] =	dma.local @!p0 [hbm:s0], s1  }
0x86: {  	s0 =	simm.s32 @!p0 $0x2  }
0x87: {  	_ =	swait.ge @!p0 [sflag:s0], s1  }
0x88: {  	s1 =	ssub.s32 @!p0 $0x0, s1;
	[sflag:s0] =	ssyncset.done @!p0 $0x0  }
0x89: {  	[sflag:s0] =	ssyncadd.s32 @!p0 s1  }
0x8a: {  	[bflag:$0x3] =	sbarrier.arrive $0xFFFF  }
0x8b: {  	_ =	shalt  }

</sc_bundles>
